<compile_context>
chip_gen: v7x
topology: tpu7x:2x2x1
jax: 0.10.2.dev20260603
libtpu: 0.0.44.dev20260713+nightly
codegen_flags: <defaults>
</compile_context>

<pallas_src>
import functools

import jax
import jax.numpy as jnp
from jax import lax
from jax.experimental import pallas as pl
from jax.experimental.pallas import tpu as pltpu
from jax.experimental.pallas import tpu_sc as plsc

B = 8
NPG = 128
H = 128
EDGES = 32768
EPG = EDGES // B
NN = NPG * NPG
NL = 4

_F32 = jnp.float32


def _perm16(x, idx):
    dnums = lax.GatherDimensionNumbers(
        offset_dims=(), collapsed_slice_dims=(0,), start_index_map=(0,))
    return lax.gather(x, idx[:, None], dnums, (1,),
                      mode=lax.GatherScatterMode.PROMISE_IN_BOUNDS)


def _sc_edge_maps(src, dst, wval):
    mesh = plsc.VectorSubcoreMesh(core_axis_name="c", subcore_axis_name="s")

    @functools.partial(
        pl.kernel,
        out_type=[
            jax.ShapeDtypeStruct((B * NN,), _F32),
            jax.ShapeDtypeStruct((B * NN,), _F32),
        ],
        mesh=mesh,
        compiler_params=pltpu.CompilerParams(needs_layout_passes=False),
        scratch_types=[
            pltpu.VMEM((EPG,), jnp.int32),
            pltpu.VMEM((EPG,), jnp.int32),
            pltpu.VMEM((EPG,), _F32),
            pltpu.VMEM((NN,), _F32),
            pltpu.VMEM((NN,), _F32),
        ],
    )
    def k(src_hbm, dst_hbm, w_hbm, ex_hbm, wt_hbm,
          src_v, dst_v, w_v, ex_v, wt_v):
        wid = lax.axis_index("s") * 2 + lax.axis_index("c")

        @pl.when(wid < B)
        def _():
            g = wid
            pltpu.sync_copy(src_hbm.at[pl.ds(g * EPG, EPG)], src_v)
            pltpu.sync_copy(dst_hbm.at[pl.ds(g * EPG, EPG)], dst_v)
            pltpu.sync_copy(w_hbm.at[pl.ds(g * EPG, EPG)], w_v)

            z16 = jnp.zeros((16,), _F32)

            def zbody(i, carry):
                ex_v[pl.ds(i * 16, 16)] = z16
                wt_v[pl.ds(i * 16, 16)] = z16
                return carry

            lax.fori_loop(0, NN // 16, zbody, 0)

            gbase = g * NPG
            lane = lax.iota(jnp.int32, 16)
            ones16 = jnp.ones((16,), _F32)

            def ebody(i, carry):
                b0 = i * 16
                ls = src_v[pl.ds(b0, 16)] - gbase
                ld = dst_v[pl.ds(b0, 16)] - gbase
                wv = w_v[pl.ds(b0, 16)]
                idx_sd = (ls << 7) + ld
                plsc.store_scatter(ex_v, [idx_sd], ones16)
                ckey = (idx_sd << 4) + lane
                skey = lax.sort(ckey, dimension=0, is_stable=False)
                grp = skey >> 4
                nxt = _perm16(grp, (lane + 1) & 15)
                is_last = (grp != nxt) | (lane == 15)
                wvals = _perm16(wv, skey & 15)
                plsc.store_scatter(wt_v, [grp], wvals, mask=is_last)
                return carry

            lax.fori_loop(0, EPG // 16, ebody, 0)

            pltpu.sync_copy(ex_v, ex_hbm.at[pl.ds(g * NN, NN)])
            pltpu.sync_copy(wt_v, wt_hbm.at[pl.ds(g * NN, NN)])

    ex, wt = k(src, dst, wval)
    return (ex.reshape(B, NN), wt.reshape(B, NN))


_BI = 64
_NIB = NPG // _BI


def _tc_all(z3, nq, src3, dst3, p):

    def body(z_r, nq_r, ls_r, ld_r,
             zW1, zb1, zW2, zb2, cW1, cb1, cW2, cb2,
             mpW, mpU1, mpU1b, mpU2, mpU2b, lng, lnb,
             cenW1, cenb1, cenW2, cenb2, matW1, matb1, matW2, matb2,
             ntW1, ntb1, ntW2, ntb2, frW1, frb1, frW2, frb2,
             eaW1, eab1, eaW2, eab2, aW1, ab1, aW2, ab2, aW3t, ab3,
             cen_o, mat_o, nt_o, fr_o, pea_o, lg_o, wt_o):
        dot = functools.partial(jnp.dot, preferred_element_type=_F32)
        hidot = functools.partial(jnp.dot, preferred_element_type=_F32,
                                  precision=lax.Precision.HIGHEST)
        relu = lambda x: jnp.maximum(x, 0.0)

        g = pl.program_id(0)
        ls = ls_r[0] - g * NPG
        ld = ld_r[0] - g * NPG
        iot = lax.broadcasted_iota(jnp.int32, (NPG, EPG), 0)
        ohs = jnp.where(iot == ls, 1.0, 0.0)
        ohd = jnp.where(iot == ld, 1.0, 0.0)
        cm = lax.dot_general(ohd, ohs, (((1,), (1,)), ((), ())),
                             preferred_element_type=_F32)

        zg = z_r[0]
        z_cond = dot(relu(dot(zg, zW1[...]) + zb1[...]), zW2[...]) + zb2[...]
        hin = jnp.concatenate(
            [nq_r[...], jnp.broadcast_to(z_cond, (NPG, H))], axis=1)
        pre = relu(dot(hin, cW1[...]) + cb1[...])
        h = dot(pre, cW2[...]) + cb2[...]
        for l in range(NL):
            msg = dot(h, mpW[l])
            agg = hidot(cm, msg)
            upd = dot(relu(dot(agg, mpU1[l]) + mpU1b[l]), mpU2[l]) + mpU2b[l]
            hr = h + upd
            mu = jnp.mean(hr, axis=-1, keepdims=True)
            var = jnp.mean((hr - mu) ** 2, axis=-1, keepdims=True)
            h = (hr - mu) / jnp.sqrt(var + 1e-5) * lng[l] + lnb[l]

        cen_o[...] = dot(relu(dot(h, cenW1[...]) + cenb1[...]), cenW2[...]) + cenb2[...]
        mat_o[...] = dot(relu(dot(h, matW1[...]) + matb1[...]), matW2[...]) + matb2[...]
        nt_o[...] = dot(relu(dot(h, ntW1[...]) + ntb1[...]), ntW2[...]) + ntb2[...]
        fr_o[...] = dot(relu(dot(h, frW1[...]) + frb1[...]), frW2[...]) + frb2[...]

        cd = (((0,), (0,)), ((), ()))
        hs = lax.dot_general(ohs, h, cd, preferred_element_type=_F32)
        hd = lax.dot_general(ohd, h, cd, preferred_element_type=_F32)
        act = relu(dot(jnp.concatenate([hs, hd], axis=1), eaW1[...]) + eab1[...])
        pea_o[...] = dot(act, eaW2[...]) + eab2[...]

        aw = aW1[...]
        w3v = aW3t[...].astype(jnp.bfloat16).astype(_F32)
        b3v = ab3[...]
        for ib in range(_NIB):
            hi = h[ib * _BI:(ib + 1) * _BI]
            hrep = jnp.broadcast_to(
                hi[:, None, :], (_BI, NPG, H)).reshape(_BI * NPG, H)
            htile = jnp.broadcast_to(
                h[None, :, :], (_BI, NPG, H)).reshape(_BI * NPG, H)
            x = jnp.concatenate([hrep, htile, hrep * htile], axis=1)
            pact = relu(dot(x, aw) + ab1[...])
            a2 = relu(dot(pact, aW2[...]) + ab2[...])
            a3 = a2.astype(jnp.bfloat16).astype(_F32).reshape(_BI, NPG, H // 2)
            lg_o[pl.ds(ib * _BI, _BI), :] = (
                jnp.sum(a3 * w3v[0][None, None, :], axis=-1) + b3v[0, 0])
            wt_o[pl.ds(ib * _BI, _BI), :] = (
                jnp.sum(a3 * w3v[1][None, None, :], axis=-1) + b3v[0, 1])

    full2 = lambda a, b: pl.BlockSpec((a, b), lambda g: (0, 0))
    full3 = lambda a, b, c: pl.BlockSpec((a, b, c), lambda g: (0, 0, 0))
    r2 = lambda a: a.reshape(1, -1)
    return pl.pallas_call(
        body,
        grid=(B,),
        in_specs=[
            pl.BlockSpec((1, 1, H), lambda g: (g, 0, 0)),
            full2(NPG, H),
            pl.BlockSpec((1, 1, EPG), lambda g: (g, 0, 0)),
            pl.BlockSpec((1, 1, EPG), lambda g: (g, 0, 0)),
            full2(H, 2 * H), full2(1, 2 * H), full2(2 * H, H), full2(1, H),
            full2(2 * H, H), full2(1, H), full2(H, H), full2(1, H),
            full3(NL, H, H), full3(NL, H, H), full3(NL, 1, H),
            full3(NL, H, H), full3(NL, 1, H), full3(NL, 1, H), full3(NL, 1, H),
            full2(H, H // 2), full2(1, H // 2), full2(H // 2, 3), full2(1, 3),
            full2(H, H), full2(1, H), full2(H, 32), full2(1, 32),
            full2(H, H // 2), full2(1, H // 2), full2(H // 2, 3), full2(1, 3),
            full2(H, H // 4), full2(1, H // 4), full2(H // 4, 1), full2(1, 1),
            full2(2 * H, H), full2(1, H), full2(H, 4), full2(1, 4),
            full2(3 * H, H), full2(1, H), full2(H, H // 2), full2(1, H // 2),
            full2(2, H // 2), full2(1, 2),
        ],
        out_specs=[
            pl.BlockSpec((NPG, 3), lambda g: (g, 0)),
            pl.BlockSpec((NPG, 32), lambda g: (g, 0)),
            pl.BlockSpec((NPG, 3), lambda g: (g, 0)),
            pl.BlockSpec((NPG, 1), lambda g: (g, 0)),
            pl.BlockSpec((EPG, 4), lambda g: (g, 0)),
            pl.BlockSpec((NPG, NPG), lambda g: (g, 0)),
            pl.BlockSpec((NPG, NPG), lambda g: (g, 0)),
        ],
        out_shape=[
            jax.ShapeDtypeStruct((B * NPG, 3), _F32),
            jax.ShapeDtypeStruct((B * NPG, 32), _F32),
            jax.ShapeDtypeStruct((B * NPG, 3), _F32),
            jax.ShapeDtypeStruct((B * NPG, 1), _F32),
            jax.ShapeDtypeStruct((EDGES, 4), _F32),
            jax.ShapeDtypeStruct((B * NPG, NPG), _F32),
            jax.ShapeDtypeStruct((B * NPG, NPG), _F32),
        ],
    )(z3, nq, src3, dst3,
      p['z_proj_W1'], r2(p['z_proj_b1']), p['z_proj_W2'], r2(p['z_proj_b2']),
      p['combine_W1'], r2(p['combine_b1']), p['combine_W2'], r2(p['combine_b2']),
      jnp.stack(p['mp_msg_W']), jnp.stack(p['mp_upd_W1']),
      jnp.stack(p['mp_upd_b1']).reshape(NL, 1, H),
      jnp.stack(p['mp_upd_W2']), jnp.stack(p['mp_upd_b2']).reshape(NL, 1, H),
      jnp.stack(p['ln_g']).reshape(NL, 1, H), jnp.stack(p['ln_b']).reshape(NL, 1, H),
      p['cen_W1'], r2(p['cen_b1']), p['cen_W2'], r2(p['cen_b2']),
      p['mat_W1'], r2(p['mat_b1']), p['mat_W2'], r2(p['mat_b2']),
      p['nt_W1'], r2(p['nt_b1']), p['nt_W2'], r2(p['nt_b2']),
      p['fr_W1'], r2(p['fr_b1']), p['fr_W2'], r2(p['fr_b2']),
      p['ea_W1'], r2(p['ea_b1']), p['ea_W2'], r2(p['ea_b2']),
      p['adj_W1'], r2(p['adj_b1']), p['adj_W2'], r2(p['adj_b2']),
      p['adj_W3'].T, r2(p['adj_b3']))


def _offdiag(x):
    return (x[:, :NN - 1].reshape(B, NPG - 1, NPG + 1)[:, :, 1:]
            .reshape(-1))


def kernel(z, edge_index, edge_attr, batch, num_nodes_per_graph, params):
    p = params
    src = edge_index[0]
    dst = edge_index[1]
    wval = edge_attr[:, 0]

    ex, wt = _sc_edge_maps(src, dst, wval)

    (cen, mat, nt, fr, pea, logits, weights) = _tc_all(
        z.reshape(B, 1, H), p['node_queries'][:NPG],
        src.reshape(B, 1, EPG), dst.reshape(B, 1, EPG), p)

    adj_logits = _offdiag(logits.reshape(B, NN))
    adj_weights = _offdiag(weights.reshape(B, NN))
    adj_target_exist = _offdiag(ex)
    adj_target_weight = _offdiag(wt)

    return (cen, mat, nt, fr, pea,
            adj_logits, adj_weights, adj_target_exist, adj_target_weight)

# --- scband reference (transcript-rebuilt; emitter-appended) ---
"""Pipeline reference for scband-gpsdecoder-53395033424436 (READ-ONLY COPY).

The authoritative reference and input builder live on the scoring server;
editing this copy changes nothing except your own understanding.
"""

import jax, jax.numpy as jnp
import numpy as np

B = 8
NPG = 128
H = 128
ZDIM = 128
EDGES = 32768
N = B * NPG
NL = 4

_ii = np.repeat(np.arange(NPG), NPG)
_jj = np.tile(np.arange(NPG), NPG)
_m = _ii != _jj
IDX_I = jnp.asarray(_ii[_m])
IDX_J = jnp.asarray(_jj[_m])


def setup_inputs(seed: int = 0) -> dict:
    key = jax.random.key(seed)
    ks = iter(jax.random.split(key, 64))

    def nrm(shape, s=0.05):
        return jax.random.normal(next(ks), shape, jnp.float32) * s

    z = jax.random.normal(next(ks), (B, ZDIM), jnp.float32)
    ls = jax.random.randint(next(ks), (EDGES,), 0, NPG)
    ld = jax.random.randint(next(ks), (EDGES,), 0, NPG)
    gid = jnp.repeat(jnp.arange(B), EDGES // B)
    edge_index = jnp.stack([ls + gid * NPG, ld + gid * NPG]).astype(jnp.int32)
    edge_attr = jax.random.uniform(next(ks), (EDGES, 4), jnp.float32)
    batch = jnp.repeat(jnp.arange(B), NPG).astype(jnp.int32)
    num_nodes_per_graph = jnp.full((B,), NPG, dtype=jnp.int32)
    params = {
        'node_queries': nrm((NPG, H), 0.02),
        'z_proj_W1': nrm((ZDIM, 2 * H)), 'z_proj_b1': jnp.zeros((2 * H,)),
        'z_proj_W2': nrm((2 * H, H)), 'z_proj_b2': jnp.zeros((H,)),
        'combine_W1': nrm((2 * H, H)), 'combine_b1': jnp.zeros((H,)),
        'combine_W2': nrm((H, H)), 'combine_b2': jnp.zeros((H,)),
        'mp_msg_W': [nrm((H, H)) for _ in range(NL)],
        'mp_upd_W1': [nrm((H, H)) for _ in range(NL)],
        'mp_upd_b1': [jnp.zeros((H,)) for _ in range(NL)],
        'mp_upd_W2': [nrm((H, H)) for _ in range(NL)],
        'mp_upd_b2': [jnp.zeros((H,)) for _ in range(NL)],
        'ln_g': [jnp.ones((H,)) for _ in range(NL)],
        'ln_b': [jnp.zeros((H,)) for _ in range(NL)],
        'cen_W1': nrm((H, H // 2)), 'cen_b1': jnp.zeros((H // 2,)),
        'cen_W2': nrm((H // 2, 3)), 'cen_b2': jnp.zeros((3,)),
        'mat_W1': nrm((H, H)), 'mat_b1': jnp.zeros((H,)),
        'mat_W2': nrm((H, 32)), 'mat_b2': jnp.zeros((32,)),
        'nt_W1': nrm((H, H // 2)), 'nt_b1': jnp.zeros((H // 2,)),
        'nt_W2': nrm((H // 2, 3)), 'nt_b2': jnp.zeros((3,)),
        'fr_W1': nrm((H, H // 4)), 'fr_b1': jnp.zeros((H // 4,)),
        'fr_W2': nrm((H // 4, 1)), 'fr_b2': jnp.zeros((1,)),
        'ea_W1': nrm((2 * H, H)), 'ea_b1': jnp.zeros((H,)),
        'ea_W2': nrm((H, 4)), 'ea_b2': jnp.zeros((4,)),
        'adj_W1': nrm((3 * H, H)), 'adj_b1': jnp.zeros((H,)),
        'adj_W2': nrm((H, H // 2)), 'adj_b2': jnp.zeros((H // 2,)),
        'adj_W3': nrm((H // 2, 2)), 'adj_b3': jnp.zeros((2,)),
    }
    return {'z': z, 'edge_index': edge_index, 'edge_attr': edge_attr,
            'batch': batch, 'num_nodes_per_graph': num_nodes_per_graph, 'params': params}


def reference(z, edge_index, edge_attr, batch, num_nodes_per_graph, params):
    p = params
    relu = jax.nn.relu
    n = NPG
    z_cond = relu(z @ p['z_proj_W1'] + p['z_proj_b1']) @ p['z_proj_W2'] + p['z_proj_b2']
    q_all = jnp.tile(p['node_queries'][:n], (B, 1))
    c_all = jnp.repeat(z_cond, n, axis=0)
    hin = jnp.concatenate([q_all, c_all], axis=1)
    h = relu(hin @ p['combine_W1'] + p['combine_b1']) @ p['combine_W2'] + p['combine_b2']
    src = edge_index[0]
    dst = edge_index[1]
    for l in range(NL):
        msg = h[src] @ p['mp_msg_W'][l]
        agg = jnp.zeros((N, H), h.dtype).at[dst].add(msg)
        upd = relu(agg @ p['mp_upd_W1'][l] + p['mp_upd_b1'][l]) @ p['mp_upd_W2'][l] + p['mp_upd_b2'][l]
        hr = h + upd
        mu = hr.mean(axis=-1, keepdims=True)
        var = hr.var(axis=-1, keepdims=True)
        h = (hr - mu) / jnp.sqrt(var + 1e-5) * p['ln_g'][l] + p['ln_b'][l]
    edge_h = jnp.concatenate([h[src], h[dst]], axis=1)
    pred_edge_attr = relu(edge_h @ p['ea_W1'] + p['ea_b1']) @ p['ea_W2'] + p['ea_b2']
    hB = h.reshape(B, n, H)
    h_i = hB[:, IDX_I]
    h_j = hB[:, IDX_J]
    pair = jnp.concatenate([h_i, h_j, h_i * h_j], axis=-1)
    a = relu(pair @ p['adj_W1'] + p['adj_b1'])
    a = relu(a @ p['adj_W2'] + p['adj_b2'])
    pred = a @ p['adj_W3'] + p['adj_b3']
    adj_logits = pred[..., 0].reshape(-1)
    adj_weights = pred[..., 1].reshape(-1)
    g = src // n
    ls = src - g * n
    ld = dst - g * n
    gt_exist = jnp.zeros((B, n, n), h.dtype).at[g, ls, ld].set(1.0)
    gt_weight = jnp.zeros((B, n, n), h.dtype).at[g, ls, ld].set(edge_attr[:, 0])
    adj_target_exist = gt_exist[:, IDX_I, IDX_J].reshape(-1)
    adj_target_weight = gt_weight[:, IDX_I, IDX_J].reshape(-1)
    centroids = relu(h @ p['cen_W1'] + p['cen_b1']) @ p['cen_W2'] + p['cen_b2']
    materials = relu(h @ p['mat_W1'] + p['mat_b1']) @ p['mat_W2'] + p['mat_b2']
    node_types = relu(h @ p['nt_W1'] + p['nt_b1']) @ p['nt_W2'] + p['nt_b2']
    frequency = relu(h @ p['fr_W1'] + p['fr_b1']) @ p['fr_W2'] + p['fr_b2']
    return (centroids, materials, node_types, frequency, pred_edge_attr,
            adj_logits, adj_weights, adj_target_exist, adj_target_weight)

if __name__ == "__main__":
    import jax
    _d = setup_inputs()
    print(jax.jit(kernel)(*tuple(_d.values())))

</pallas_src>

<mosaic_0001>
#map = affine_map<(d0, d1) -> (0)>
module attributes {stable_mosaic.version = 14 : i64} {
  func.func @k(%arg0: i32, %arg1: i32, %arg2: memref<32768xi32, #tpu.memory_space<hbm>>, %arg3: memref<32768xi32, #tpu.memory_space<hbm>>, %arg4: memref<32768xf32, #tpu.memory_space<hbm>>, %arg5: memref<131072xf32, #tpu.memory_space<hbm>>, %arg6: memref<131072xf32, #tpu.memory_space<hbm>>, %arg7: memref<4096xi32, #tpu.memory_space<vmem>>, %arg8: memref<4096xi32, #tpu.memory_space<vmem>>, %arg9: memref<4096xf32, #tpu.memory_space<vmem>>, %arg10: memref<16384xf32, #tpu.memory_space<vmem>>, %arg11: memref<16384xf32, #tpu.memory_space<vmem>>) attributes {dimension_semantics = [#tpu.dimension_semantics<core_parallel>, #tpu.dimension_semantics<subcore_parallel>], iteration_bounds = array<i64: 2, 16>, scalar_prefetch = 0 : i64, scratch_operands = 5 : i64, tpu.core_type = #tpu.core_type<sc_vector_subcore>, window_params = [{transform_indices = #map}, {transform_indices = #map}, {transform_indices = #map}, {transform_indices = #map}, {transform_indices = #map}]} {
    %mul3A = arith.constant 2 : i32
    %mul3A_0 = arith.muli %arg1, %mul3A : i32
    %add3A = arith.addi %mul3A_0, %arg0 : i32
    %lt3A = arith.constant 8 : i32
    %lt3A_1 = arith.cmpi slt, %add3A, %lt3A : i32
    %convert_element_type3A = arith.extui %lt3A_1 : i1 to i32
    %cond3A = arith.constant 0 : i32
    %cond3A_2 = arith.cmpi ne, %convert_element_type3A, %cond3A : i32
    scf.if %cond3A_2 {
      %mul3A_3 = arith.constant 4096 : i32
      %mul3A_4 = arith.muli %add3A, %mul3A_3 : i32
      "tpu.region"() ({
        %run_scoped3A = tpu.sem_alloc : memref<!tpu.dma_semaphore, #tpu.memory_space<semaphore_mem>>
        %dma_start3A = tpu.memref_slice %arg2[%mul3A_4] : memref<32768xi32, #tpu.memory_space<hbm>> -> memref<4096xi32, #tpu.memory_space<hbm>>
        %dma_start3A_29 = tpu.memref_slice %arg2[%mul3A_4] : memref<32768xi32, #tpu.memory_space<hbm>> -> memref<4096xi32, #tpu.memory_space<hbm>>
        tpu.enqueue_dma source(%dma_start3A_29 : memref<4096xi32, #tpu.memory_space<hbm>>) target(%arg7 : memref<4096xi32, #tpu.memory_space<vmem>>) target_semaphore(%run_scoped3A : memref<!tpu.dma_semaphore, #tpu.memory_space<semaphore_mem>>)
        %dma_wait3A = tpu.memref_slice %arg2[%mul3A_4] : memref<32768xi32, #tpu.memory_space<hbm>> -> memref<4096xi32, #tpu.memory_space<hbm>>
        %dma_wait3A_30 = tpu.memref_slice %arg2[%mul3A_4] : memref<32768xi32, #tpu.memory_space<hbm>> -> memref<4096xi32, #tpu.memory_space<hbm>>
        tpu.wait_dma2 semaphore(%run_scoped3A : memref<!tpu.dma_semaphore, #tpu.memory_space<semaphore_mem>>) src(%dma_wait3A_30 : memref<4096xi32, #tpu.memory_space<hbm>>) dst(%arg7 : memref<4096xi32, #tpu.memory_space<vmem>>)
        tpu.yield
      }) : () -> ()
      %mul3A_5 = arith.constant 4096 : i32
      %mul3A_6 = arith.muli %add3A, %mul3A_5 : i32
      "tpu.region"() ({
        %run_scoped3A = tpu.sem_alloc : memref<!tpu.dma_semaphore, #tpu.memory_space<semaphore_mem>>
        %dma_start3A = tpu.memref_slice %arg3[%mul3A_6] : memref<32768xi32, #tpu.memory_space<hbm>> -> memref<4096xi32, #tpu.memory_space<hbm>>
        %dma_start3A_29 = tpu.memref_slice %arg3[%mul3A_6] : memref<32768xi32, #tpu.memory_space<hbm>> -> memref<4096xi32, #tpu.memory_space<hbm>>
        tpu.enqueue_dma source(%dma_start3A_29 : memref<4096xi32, #tpu.memory_space<hbm>>) target(%arg8 : memref<4096xi32, #tpu.memory_space<vmem>>) target_semaphore(%run_scoped3A : memref<!tpu.dma_semaphore, #tpu.memory_space<semaphore_mem>>)
        %dma_wait3A = tpu.memref_slice %arg3[%mul3A_6] : memref<32768xi32, #tpu.memory_space<hbm>> -> memref<4096xi32, #tpu.memory_space<hbm>>
        %dma_wait3A_30 = tpu.memref_slice %arg3[%mul3A_6] : memref<32768xi32, #tpu.memory_space<hbm>> -> memref<4096xi32, #tpu.memory_space<hbm>>
        tpu.wait_dma2 semaphore(%run_scoped3A : memref<!tpu.dma_semaphore, #tpu.memory_space<semaphore_mem>>) src(%dma_wait3A_30 : memref<4096xi32, #tpu.memory_space<hbm>>) dst(%arg8 : memref<4096xi32, #tpu.memory_space<vmem>>)
        tpu.yield
      }) : () -> ()
      %mul3A_7 = arith.constant 4096 : i32
      %mul3A_8 = arith.muli %add3A, %mul3A_7 : i32
      "tpu.region"() ({
        %run_scoped3A = tpu.sem_alloc : memref<!tpu.dma_semaphore, #tpu.memory_space<semaphore_mem>>
        %dma_start3A = tpu.memref_slice %arg4[%mul3A_8] : memref<32768xf32, #tpu.memory_space<hbm>> -> memref<4096xf32, #tpu.memory_space<hbm>>
        %dma_start3A_29 = tpu.memref_slice %arg4[%mul3A_8] : memref<32768xf32, #tpu.memory_space<hbm>> -> memref<4096xf32, #tpu.memory_space<hbm>>
        tpu.enqueue_dma source(%dma_start3A_29 : memref<4096xf32, #tpu.memory_space<hbm>>) target(%arg9 : memref<4096xf32, #tpu.memory_space<vmem>>) target_semaphore(%run_scoped3A : memref<!tpu.dma_semaphore, #tpu.memory_space<semaphore_mem>>)
        %dma_wait3A = tpu.memref_slice %arg4[%mul3A_8] : memref<32768xf32, #tpu.memory_space<hbm>> -> memref<4096xf32, #tpu.memory_space<hbm>>
        %dma_wait3A_30 = tpu.memref_slice %arg4[%mul3A_8] : memref<32768xf32, #tpu.memory_space<hbm>> -> memref<4096xf32, #tpu.memory_space<hbm>>
        tpu.wait_dma2 semaphore(%run_scoped3A : memref<!tpu.dma_semaphore, #tpu.memory_space<semaphore_mem>>) src(%dma_wait3A_30 : memref<4096xf32, #tpu.memory_space<hbm>>) dst(%arg9 : memref<4096xf32, #tpu.memory_space<vmem>>)
        tpu.yield
      }) : () -> ()
      %broadcast_in_dim3A = arith.constant 0.000000e+00 : f32
      %broadcast_in_dim3A_9 = vector.broadcast %broadcast_in_dim3A : f32 to vector<16xf32>
      %scan3A = arith.constant 0 : i32
      %scan3A_10 = arith.constant 0 : i32
      %scan3A_11 = arith.constant 1024 : i32
      %scan3A_12 = arith.addi %scan3A_10, %scan3A_11 : i32
      %scan3A_13 = arith.constant 1 : i32
      scf.for %scan3A_29 = %scan3A_10 to %scan3A_12 step %scan3A_13  : i32 {
        %mul3A_30 = arith.constant 16 : i32
        %mul3A_31 = arith.muli %scan3A_29, %mul3A_30 : i32
        %swap3A = arith.index_cast %mul3A_31 : i32 to index
        %swap3A_32 = tpu.vector_load %arg10[%swap3A] {strides = array<i32>} : memref<16384xf32, #tpu.memory_space<vmem>>, vector<16xf32>,
        tpu.vector_store %arg10[%swap3A], %broadcast_in_dim3A_9 {strides = array<i32>} : memref<16384xf32, #tpu.memory_space<vmem>>, vector<16xf32>,
        %mul3A_33 = arith.constant 16 : i32
        %mul3A_34 = arith.muli %scan3A_29, %mul3A_33 : i32
        %swap3A_35 = arith.index_cast %mul3A_34 : i32 to index
        %swap3A_36 = tpu.vector_load %arg11[%swap3A_35] {strides = array<i32>} : memref<16384xf32, #tpu.memory_space<vmem>>, vector<16xf32>,
        tpu.vector_store %arg11[%swap3A_35], %broadcast_in_dim3A_9 {strides = array<i32>} : memref<16384xf32, #tpu.memory_space<vmem>>, vector<16xf32>,
      }
      %scan3A_14 = arith.constant 1024 : i32
      %mul3A_15 = arith.constant 128 : i32
      %mul3A_16 = arith.muli %add3A, %mul3A_15 : i32
      %iota3A = tpu.iota {dimensions = array<i32: 0>} : vector<16xi32>
      %broadcast_in_dim3A_17 = arith.constant 1.000000e+00 : f32
      %broadcast_in_dim3A_18 = vector.broadcast %broadcast_in_dim3A_17 : f32 to vector<16xf32>
      %scan3A_19 = arith.constant 0 : i32
      %scan3A_20 = arith.constant 0 : i32
      %scan3A_21 = arith.constant 256 : i32
      %scan3A_22 = arith.addi %scan3A_20, %scan3A_21 : i32
      %scan3A_23 = arith.constant 1 : i32
      scf.for %scan3A_29 = %scan3A_20 to %scan3A_22 step %scan3A_23  : i32 {
        %mul3A_30 = arith.constant 16 : i32
        %mul3A_31 = arith.muli %scan3A_29, %mul3A_30 : i32
        %get3A = arith.index_cast %mul3A_31 : i32 to index
        %get3A_32 = tpu.vector_load %arg7[%get3A] {strides = array<i32>} : memref<4096xi32, #tpu.memory_space<vmem>>, vector<16xi32>,
        %sub3A = vector.broadcast %mul3A_16 : i32 to vector<16xi32>
        %sub3A_33 = arith.subi %get3A_32, %sub3A : vector<16xi32>
        %get3A_34 = arith.index_cast %mul3A_31 : i32 to index
        %get3A_35 = tpu.vector_load %arg8[%get3A_34] {strides = array<i32>} : memref<4096xi32, #tpu.memory_space<vmem>>, vector<16xi32>,
        %sub3A_36 = vector.broadcast %mul3A_16 : i32 to vector<16xi32>
        %sub3A_37 = arith.subi %get3A_35, %sub3A_36 : vector<16xi32>
        %get3A_38 = arith.index_cast %mul3A_31 : i32 to index
        %get3A_39 = tpu.vector_load %arg9[%get3A_38] {strides = array<i32>} : memref<4096xf32, #tpu.memory_space<vmem>>, vector<16xf32>,
        %shift_left3A = arith.constant 7 : i32
        %shift_left3A_40 = vector.broadcast %shift_left3A : i32 to vector<16xi32>
        %shift_left3A_41 = arith.shli %sub3A_33, %shift_left3A_40 : vector<16xi32>
        %add3A_42 = arith.addi %shift_left3A_41, %sub3A_37 : vector<16xi32>
        tpu.vector_store_idx %arg10[%add3A_42], %broadcast_in_dim3A_18 : memref<16384xf32, #tpu.memory_space<vmem>>[vector<16xi32>], vector<16xf32>,
        %shift_left3A_43 = arith.constant 4 : i32
        %shift_left3A_44 = vector.broadcast %shift_left3A_43 : i32 to vector<16xi32>
        %shift_left3A_45 = arith.shli %add3A_42, %shift_left3A_44 : vector<16xi32>
        %add3A_46 = arith.addi %shift_left3A_45, %iota3A : vector<16xi32>
        %sort3A = arith.constant dense<true> : vector<16xi1>
        %sort3A_47, %sort3A_48, %sort3A_49 = tpu.sort %add3A_46, %add3A_46 masked %sort3A : (vector<16xi32>, vector<16xi32>, vector<16xi1>) -> (vector<16xi1>, vector<16xi32>, vector<16xi32>)
        %shift_right_arithmetic3A = arith.constant 4 : i32
        %shift_right_arithmetic3A_50 = vector.broadcast %shift_right_arithmetic3A : i32 to vector<16xi32>
        %shift_right_arithmetic3A_51 = arith.shrsi %sort3A_48, %shift_right_arithmetic3A_50 : vector<16xi32>
        %add3A_52 = arith.constant 1 : i32
        %add3A_53 = vector.broadcast %add3A_52 : i32 to vector<16xi32>
        %add3A_54 = arith.addi %iota3A, %add3A_53 : vector<16xi32>
        %and3A = arith.constant 15 : i32
        %and3A_55 = vector.broadcast %and3A : i32 to vector<16xi32>
        %and3A_56 = arith.andi %add3A_54, %and3A_55 : vector<16xi32>
        %broadcast_in_dim3A_57 = vector.shape_cast %and3A_56 : vector<16xi32> to vector<16x1xi32>
        %gather3A = vector.shape_cast %broadcast_in_dim3A_57 : vector<16x1xi32> to vector<16xi32>
        %gather3A_58 = tpu.dynamic_gather %shift_right_arithmetic3A_51[%gather3A] in [0] : vector<16xi32>, vector<16xi32> -> vector<16xi32>
        %ne3A = arith.cmpi ne, %shift_right_arithmetic3A_51, %gather3A_58 : vector<16xi32>
        %eq3A = arith.constant 15 : i32
        %eq3A_59 = vector.broadcast %eq3A : i32 to vector<16xi32>
        %eq3A_60 = arith.cmpi eq, %iota3A, %eq3A_59 : vector<16xi32>
        %or3A = arith.ori %ne3A, %eq3A_60 : vector<16xi1>
        %and3A_61 = arith.constant 15 : i32
        %and3A_62 = vector.broadcast %and3A_61 : i32 to vector<16xi32>
        %and3A_63 = arith.andi %sort3A_48, %and3A_62 : vector<16xi32>
        %broadcast_in_dim3A_64 = vector.shape_cast %and3A_63 : vector<16xi32> to vector<16x1xi32>
        %gather3A_65 = vector.shape_cast %broadcast_in_dim3A_64 : vector<16x1xi32> to vector<16xi32>
        %gather3A_66 = tpu.dynamic_gather %get3A_39[%gather3A_65] in [0] : vector<16xf32>, vector<16xi32> -> vector<16xf32>
        tpu.vector_store_idx %arg11[%shift_right_arithmetic3A_51], %gather3A_66 masked %or3A : memref<16384xf32, #tpu.memory_space<vmem>>[vector<16xi32>], vector<16xf32>, vector<16xi1>
      }
      %scan3A_24 = arith.constant 256 : i32
      %mul3A_25 = arith.constant 16384 : i32
      %mul3A_26 = arith.muli %add3A, %mul3A_25 : i32
      "tpu.region"() ({
        %run_scoped3A = tpu.sem_alloc : memref<!tpu.dma_semaphore, #tpu.memory_space<semaphore_mem>>
        %dma_start3A = tpu.memref_slice %arg5[%mul3A_26] : memref<131072xf32, #tpu.memory_space<hbm>> -> memref<16384xf32, #tpu.memory_space<hbm>>
        %dma_start3A_29 = tpu.memref_slice %arg5[%mul3A_26] : memref<131072xf32, #tpu.memory_space<hbm>> -> memref<16384xf32, #tpu.memory_space<hbm>>
        tpu.enqueue_dma source(%arg10 : memref<16384xf32, #tpu.memory_space<vmem>>) target(%dma_start3A_29 : memref<16384xf32, #tpu.memory_space<hbm>>) target_semaphore(%run_scoped3A : memref<!tpu.dma_semaphore, #tpu.memory_space<semaphore_mem>>)
        %dma_wait3A = tpu.memref_slice %arg5[%mul3A_26] : memref<131072xf32, #tpu.memory_space<hbm>> -> memref<16384xf32, #tpu.memory_space<hbm>>
        %dma_wait3A_30 = tpu.memref_slice %arg5[%mul3A_26] : memref<131072xf32, #tpu.memory_space<hbm>> -> memref<16384xf32, #tpu.memory_space<hbm>>
        tpu.wait_dma2 semaphore(%run_scoped3A : memref<!tpu.dma_semaphore, #tpu.memory_space<semaphore_mem>>) src(%arg10 : memref<16384xf32, #tpu.memory_space<vmem>>) dst(%dma_wait3A_30 : memref<16384xf32, #tpu.memory_space<hbm>>)
        tpu.yield
      }) : () -> ()
      %mul3A_27 = arith.constant 16384 : i32
      %mul3A_28 = arith.muli %add3A, %mul3A_27 : i32
      "tpu.region"() ({
        %run_scoped3A = tpu.sem_alloc : memref<!tpu.dma_semaphore, #tpu.memory_space<semaphore_mem>>
        %dma_start3A = tpu.memref_slice %arg6[%mul3A_28] : memref<131072xf32, #tpu.memory_space<hbm>> -> memref<16384xf32, #tpu.memory_space<hbm>>
        %dma_start3A_29 = tpu.memref_slice %arg6[%mul3A_28] : memref<131072xf32, #tpu.memory_space<hbm>> -> memref<16384xf32, #tpu.memory_space<hbm>>
        tpu.enqueue_dma source(%arg11 : memref<16384xf32, #tpu.memory_space<vmem>>) target(%dma_start3A_29 : memref<16384xf32, #tpu.memory_space<hbm>>) target_semaphore(%run_scoped3A : memref<!tpu.dma_semaphore, #tpu.memory_space<semaphore_mem>>)
        %dma_wait3A = tpu.memref_slice %arg6[%mul3A_28] : memref<131072xf32, #tpu.memory_space<hbm>> -> memref<16384xf32, #tpu.memory_space<hbm>>
        %dma_wait3A_30 = tpu.memref_slice %arg6[%mul3A_28] : memref<131072xf32, #tpu.memory_space<hbm>> -> memref<16384xf32, #tpu.memory_space<hbm>>
        tpu.wait_dma2 semaphore(%run_scoped3A : memref<!tpu.dma_semaphore, #tpu.memory_space<semaphore_mem>>) src(%arg11 : memref<16384xf32, #tpu.memory_space<vmem>>) dst(%dma_wait3A_30 : memref<16384xf32, #tpu.memory_space<hbm>>)
        tpu.yield
      }) : () -> ()
    } else {
    }
    return
  }
}

module attributes {stable_mosaic.version = 14 : i64} {
  func.func @body(%arg0: i32, %arg1: memref<1x1x128xf32, #tpu.memory_space<vmem>>, %arg2: memref<128x128xf32, #tpu.memory_space<vmem>>, %arg3: memref<1x1x4096xi32, #tpu.memory_space<vmem>>, %arg4: memref<1x1x4096xi32, #tpu.memory_space<vmem>>, %arg5: memref<128x256xf32, #tpu.memory_space<vmem>>, %arg6: memref<1x256xf32, #tpu.memory_space<vmem>>, %arg7: memref<256x128xf32, #tpu.memory_space<vmem>>, %arg8: memref<1x128xf32, #tpu.memory_space<vmem>>, %arg9: memref<256x128xf32, #tpu.memory_space<vmem>>, %arg10: memref<1x128xf32, #tpu.memory_space<vmem>>, %arg11: memref<128x128xf32, #tpu.memory_space<vmem>>, %arg12: memref<1x128xf32, #tpu.memory_space<vmem>>, %arg13: memref<4x128x128xf32, #tpu.memory_space<vmem>>, %arg14: memref<4x128x128xf32, #tpu.memory_space<vmem>>, %arg15: memref<4x1x128xf32, #tpu.memory_space<vmem>>, %arg16: memref<4x128x128xf32, #tpu.memory_space<vmem>>, %arg17: memref<4x1x128xf32, #tpu.memory_space<vmem>>, %arg18: memref<4x1x128xf32, #tpu.memory_space<vmem>>, %arg19: memref<4x1x128xf32, #tpu.memory_space<vmem>>, %arg20: memref<128x64xf32, #tpu.memory_space<vmem>>, %arg21: memref<1x64xf32, #tpu.memory_space<vmem>>, %arg22: memref<64x3xf32, #tpu.memory_space<vmem>>, %arg23: memref<1x3xf32, #tpu.memory_space<vmem>>, %arg24: memref<128x128xf32, #tpu.memory_space<vmem>>, %arg25: memref<1x128xf32, #tpu.memory_space<vmem>>, %arg26: memref<128x32xf32, #tpu.memory_space<vmem>>, %arg27: memref<1x32xf32, #tpu.memory_space<vmem>>, %arg28: memref<128x64xf32, #tpu.memory_space<vmem>>, %arg29: memref<1x64xf32, #tpu.memory_space<vmem>>, %arg30: memref<64x3xf32, #tpu.memory_space<vmem>>, %arg31: memref<1x3xf32, #tpu.memory_space<vmem>>, %arg32: memref<128x32xf32, #tpu.memory_space<vmem>>, %arg33: memref<1x32xf32, #tpu.memory_space<vmem>>, %arg34: memref<32x1xf32, #tpu.memory_space<vmem>>, %arg35: memref<1x1xf32, #tpu.memory_space<vmem>>, %arg36: memref<256x128xf32, #tpu.memory_space<vmem>>, %arg37: memref<1x128xf32, #tpu.memory_space<vmem>>, %arg38: memref<128x4xf32, #tpu.memory_space<vmem>>, %arg39: memref<1x4xf32, #tpu.memory_space<vmem>>, %arg40: memref<384x128xf32, #tpu.memory_space<vmem>>, %arg41: memref<1x128xf32, #tpu.memory_space<vmem>>, %arg42: memref<128x64xf32, #tpu.memory_space<vmem>>, %arg43: memref<1x64xf32, #tpu.memory_space<vmem>>, %arg44: memref<2x64xf32, #tpu.memory_space<vmem>>, %arg45: memref<1x2xf32, #tpu.memory_space<vmem>>, %arg46: memref<128x3xf32, #tpu.memory_space<vmem>>, %arg47: memref<128x32xf32, #tpu.memory_space<vmem>>, %arg48: memref<128x3xf32, #tpu.memory_space<vmem>>, %arg49: memref<128x1xf32, #tpu.memory_space<vmem>>, %arg50: memref<4096x4xf32, #tpu.memory_space<vmem>>, %arg51: memref<128x128xf32, #tpu.memory_space<vmem>>, %arg52: memref<128x128xf32, #tpu.memory_space<vmem>>) attributes {dimension_semantics = [#tpu.dimension_semantics<arbitrary>], iteration_bounds = array<i64: 8>, scalar_prefetch = 0 : i64, scratch_operands = 0 : i64, tpu.core_type = #tpu.core_type<tc>, window_params = [{transform_indices = @transform_0, window_bounds = array<i64: 1, 1, 128>}, {pipeline_mode = #tpu.pipeline_mode<synchronous>, transform_indices = @transform_1, window_bounds = array<i64: 128, 128>}, {transform_indices = @transform_2, window_bounds = array<i64: 1, 1, 4096>}, {transform_indices = @transform_3, window_bounds = array<i64: 1, 1, 4096>}, {pipeline_mode = #tpu.pipeline_mode<synchronous>, transform_indices = @transform_4, window_bounds = array<i64: 128, 256>}, {pipeline_mode = #tpu.pipeline_mode<synchronous>, transform_indices = @transform_5, window_bounds = array<i64: 1, 256>}, {pipeline_mode = #tpu.pipeline_mode<synchronous>, transform_indices = @transform_6, window_bounds = array<i64: 256, 128>}, {pipeline_mode = #tpu.pipeline_mode<synchronous>, transform_indices = @transform_7, window_bounds = array<i64: 1, 128>}, {pipeline_mode = #tpu.pipeline_mode<synchronous>, transform_indices = @transform_8, window_bounds = array<i64: 256, 128>}, {pipeline_mode = #tpu.pipeline_mode<synchronous>, transform_indices = @transform_9, window_bounds = array<i64: 1, 128>}, {pipeline_mode = #tpu.pipeline_mode<synchronous>, transform_indices = @transform_10, window_bounds = array<i64: 128, 128>}, {pipeline_mode = #tpu.pipeline_mode<synchronous>, transform_indices = @transform_11, window_bounds = array<i64: 1, 128>}, {pipeline_mode = #tpu.pipeline_mode<synchronous>, transform_indices = @transform_12, window_bounds = array<i64: 4, 128, 128>}, {pipeline_mode = #tpu.pipeline_mode<synchronous>, transform_indices = @transform_13, window_bounds = array<i64: 4, 128, 128>}, {pipeline_mode = #tpu.pipeline_mode<synchronous>, transform_indices = @transform_14, window_bounds = array<i64: 4, 1, 128>}, {pipeline_mode = #tpu.pipeline_mode<synchronous>, transform_indices = @transform_15, window_bounds = array<i64: 4, 128, 128>}, {pipeline_mode = #tpu.pipeline_mode<synchronous>, transform_indices = @transform_16, window_bounds = array<i64: 4, 1, 128>}, {pipeline_mode = #tpu.pipeline_mode<synchronous>, transform_indices = @transform_17, window_bounds = array<i64: 4, 1, 128>}, {pipeline_mode = #tpu.pipeline_mode<synchronous>, transform_indices = @transform_18, window_bounds = array<i64: 4, 1, 128>}, {pipeline_mode = #tpu.pipeline_mode<synchronous>, transform_indices = @transform_19, window_bounds = array<i64: 128, 64>}, {pipeline_mode = #tpu.pipeline_mode<synchronous>, transform_indices = @transform_20, window_bounds = array<i64: 1, 64>}, {pipeline_mode = #tpu.pipeline_mode<synchronous>, transform_indices = @transform_21, window_bounds = array<i64: 64, 3>}, {pipeline_mode = #tpu.pipeline_mode<synchronous>, transform_indices = @transform_22, window_bounds = array<i64: 1, 3>}, {pipeline_mode = #tpu.pipeline_mode<synchronous>, transform_indices = @transform_23, window_bounds = array<i64: 128, 128>}, {pipeline_mode = #tpu.pipeline_mode<synchronous>, transform_indices = @transform_24, window_bounds = array<i64: 1, 128>}, {pipeline_mode = #tpu.pipeline_mode<synchronous>, transform_indices = @transform_25, window_bounds = array<i64: 128, 32>}, {pipeline_mode = #tpu.pipeline_mode<synchronous>, transform_indices = @transform_26, window_bounds = array<i64: 1, 32>}, {pipeline_mode = #tpu.pipeline_mode<synchronous>, transform_indices = @transform_27, window_bounds = array<i64: 128, 64>}, {pipeline_mode = #tpu.pipeline_mode<synchronous>, transform_indices = @transform_28, window_bounds = array<i64: 1, 64>}, {pipeline_mode = #tpu.pipeline_mode<synchronous>, transform_indices = @transform_29, window_bounds = array<i64: 64, 3>}, {pipeline_mode = #tpu.pipeline_mode<synchronous>, transform_indices = @transform_30, window_bounds = array<i64: 1, 3>}, {pipeline_mode = #tpu.pipeline_mode<synchronous>, transform_indices = @transform_31, window_bounds = array<i64: 128, 32>}, {pipeline_mode = #tpu.pipeline_mode<synchronous>, transform_indices = @transform_32, window_bounds = array<i64: 1, 32>}, {pipeline_mode = #tpu.pipeline_mode<synchronous>, transform_indices = @transform_33, window_bounds = array<i64: 32, 1>}, {pipeline_mode = #tpu.pipeline_mode<synchronous>, transform_indices = @transform_34, window_bounds = array<i64: 1, 1>}, {pipeline_mode = #tpu.pipeline_mode<synchronous>, transform_indices = @transform_35, window_bounds = array<i64: 256, 128>}, {pipeline_mode = #tpu.pipeline_mode<synchronous>, transform_indices = @transform_36, window_bounds = array<i64: 1, 128>}, {pipeline_mode = #tpu.pipeline_mode<synchronous>, transform_indices = @transform_37, window_bounds = array<i64: 128, 4>}, {pipeline_mode = #tpu.pipeline_mode<synchronous>, transform_indices = @transform_38, window_bounds = array<i64: 1, 4>}, {pipeline_mode = #tpu.pipeline_mode<synchronous>, transform_indices = @transform_39, window_bounds = array<i64: 384, 128>}, {pipeline_mode = #tpu.pipeline_mode<synchronous>, transform_indices = @transform_40, window_bounds = array<i64: 1, 128>}, {pipeline_mode = #tpu.pipeline_mode<synchronous>, transform_indices = @transform_41, window_bounds = array<i64: 128, 64>}, {pipeline_mode = #tpu.pipeline_mode<synchronous>, transform_indices = @transform_42, window_bounds = array<i64: 1, 64>}, {pipeline_mode = #tpu.pipeline_mode<synchronous>, transform_indices = @transform_43, window_bounds = array<i64: 2, 64>}, {pipeline_mode = #tpu.pipeline_mode<synchronous>, transform_indices = @transform_44, window_bounds = array<i64: 1, 2>}, {transform_indices = @transform_45, window_bounds = array<i64: 128, 3>}, {transform_indices = @transform_46, window_bounds = array<i64: 128, 32>}, {transform_indices = @transform_47, window_bounds = array<i64: 128, 3>}, {transform_indices = @transform_48, window_bounds = array<i64: 128, 1>}, {transform_indices = @transform_49, window_bounds = array<i64: 4096, 4>}, {transform_indices = @transform_50, window_bounds = array<i64: 128, 128>}, {transform_indices = @transform_51, window_bounds = array<i64: 128, 128>}]} {
    %get3A = arith.constant 0 : index
    %get3A_0 = arith.constant 0 : index
    %get3A_1 = arith.constant 0 : index
    %get3A_2 = vector.load %arg3[%get3A, %get3A_0, %get3A_1] : memref<1x1x4096xi32, #tpu.memory_space<vmem>>, vector<1x1x4096xi32>
    %get3A_3 = vector.shape_cast %get3A_2 : vector<1x1x4096xi32> to vector<1x4096xi32>
    %mul3A = arith.constant 128 : i32
    %mul3A_4 = arith.muli %arg0, %mul3A : i32
    %sub3A = vector.broadcast %mul3A_4 : i32 to vector<1x4096xi32>
    %sub3A_5 = arith.subi %get3A_3, %sub3A : vector<1x4096xi32>
    %get3A_6 = arith.constant 0 : index
    %get3A_7 = arith.constant 0 : index
    %get3A_8 = arith.constant 0 : index
    %get3A_9 = vector.load %arg4[%get3A_6, %get3A_7, %get3A_8] : memref<1x1x4096xi32, #tpu.memory_space<vmem>>, vector<1x1x4096xi32>
    %get3A_10 = vector.shape_cast %get3A_9 : vector<1x1x4096xi32> to vector<1x4096xi32>
    %mul3A_11 = arith.constant 128 : i32
    %mul3A_12 = arith.muli %arg0, %mul3A_11 : i32
    %sub3A_13 = vector.broadcast %mul3A_12 : i32 to vector<1x4096xi32>
    %sub3A_14 = arith.subi %get3A_10, %sub3A_13 : vector<1x4096xi32>
    %iota3A = tpu.iota {dimensions = array<i32: 0>} : vector<128x4096xi32>
    %eq3A = vector.broadcast %sub3A_5 : vector<1x4096xi32> to vector<128x4096xi32>
    %eq3A_15 = arith.cmpi eq, %iota3A, %eq3A : vector<128x4096xi32>
    %jit3A = arith.constant 1.000000e+00 : f32
    %jit3A_16 = arith.constant 0.000000e+00 : f32
    %broadcast_in_dim3A = vector.broadcast %jit3A : f32 to vector<128x4096xf32>
    %broadcast_in_dim3A_17 = vector.broadcast %jit3A_16 : f32 to vector<128x4096xf32>
    %select_n3A = arith.select %eq3A_15, %broadcast_in_dim3A, %broadcast_in_dim3A_17 : vector<128x4096xi1>, vector<128x4096xf32>
    %eq3A_18 = vector.broadcast %sub3A_14 : vector<1x4096xi32> to vector<128x4096xi32>
    %eq3A_19 = arith.cmpi eq, %iota3A, %eq3A_18 : vector<128x4096xi32>
    %jit3A_20 = arith.constant 1.000000e+00 : f32
    %jit3A_21 = arith.constant 0.000000e+00 : f32
    %broadcast_in_dim3A_22 = vector.broadcast %jit3A_20 : f32 to vector<128x4096xf32>
    %broadcast_in_dim3A_23 = vector.broadcast %jit3A_21 : f32 to vector<128x4096xf32>
    %select_n3A_24 = arith.select %eq3A_19, %broadcast_in_dim3A_22, %broadcast_in_dim3A_23 : vector<128x4096xi1>, vector<128x4096xf32>
    %dot_general3A = arith.constant dense<0.000000e+00> : vector<128x128xf32>
    %dot_general3A_25 = tpu.matmul %select_n3A_24, %select_n3A, %dot_general3A {dimension_numbers = #tpu.dot_dimension_numbers<[1], [1], [0], [0], [0, 0, 1, 0], [], []>, transpose_lhs_hint = false} : vector<128x4096xf32>, vector<128x4096xf32>, vector<128x128xf32> -> vector<128x128xf32>
    %get3A_26 = arith.constant 0 : index
    %get3A_27 = arith.constant 0 : index
    %get3A_28 = arith.constant 0 : index
    %get3A_29 = vector.load %arg1[%get3A_26, %get3A_27, %get3A_28] : memref<1x1x128xf32, #tpu.memory_space<vmem>>, vector<1x1x128xf32>
    %get3A_30 = vector.shape_cast %get3A_29 : vector<1x1x128xf32> to vector<1x128xf32>
    %get3A_31 = arith.constant 0 : index
    %get3A_32 = arith.constant 0 : index
    %get3A_33 = vector.load %arg5[%get3A_31, %get3A_32] : memref<128x256xf32, #tpu.memory_space<vmem>>, vector<128x256xf32>
    %dot_general3A_34 = arith.constant dense<0.000000e+00> : vector<1x256xf32>
    %dot_general3A_35 = tpu.matmul %get3A_30, %get3A_33, %dot_general3A_34 {dimension_numbers = #tpu.dot_dimension_numbers<[1], [0], [0], [1], [0, 0, 1, 1], [], []>, transpose_lhs_hint = false} : vector<1x128xf32>, vector<128x256xf32>, vector<1x256xf32> -> vector<1x256xf32>
    %get3A_36 = arith.constant 0 : index
    %get3A_37 = arith.constant 0 : index
    %get3A_38 = vector.load %arg6[%get3A_36, %get3A_37] : memref<1x256xf32, #tpu.memory_space<vmem>>, vector<1x256xf32>
    %add3A = arith.addf %dot_general3A_35, %get3A_38 : vector<1x256xf32>
    %max3A = arith.constant 0.000000e+00 : f32
    %max3A_39 = vector.broadcast %max3A : f32 to vector<1x256xf32>
    %max3A_40 = arith.maximumf %add3A, %max3A_39 : vector<1x256xf32>
    %get3A_41 = arith.constant 0 : index
    %get3A_42 = arith.constant 0 : index
    %get3A_43 = vector.load %arg7[%get3A_41, %get3A_42] : memref<256x128xf32, #tpu.memory_space<vmem>>, vector<256x128xf32>
    %dot_general3A_44 = arith.constant dense<0.000000e+00> : vector<1x128xf32>
    %dot_general3A_45 = tpu.matmul %max3A_40, %get3A_43, %dot_general3A_44 {dimension_numbers = #tpu.dot_dimension_numbers<[1], [0], [0], [1], [0, 0, 1, 1], [], []>, transpose_lhs_hint = false} : vector<1x256xf32>, vector<256x128xf32>, vector<1x128xf32> -> vector<1x128xf32>
    %get3A_46 = arith.constant 0 : index
    %get3A_47 = arith.constant 0 : index
    %get3A_48 = vector.load %arg8[%get3A_46, %get3A_47] : memref<1x128xf32, #tpu.memory_space<vmem>>, vector<1x128xf32>
    %add3A_49 = arith.addf %dot_general3A_45, %get3A_48 : vector<1x128xf32>
    %get3A_50 = arith.constant 0 : index
    %get3A_51 = arith.constant 0 : index
    %get3A_52 = vector.load %arg2[%get3A_50, %get3A_51] : memref<128x128xf32, #tpu.memory_space<vmem>>, vector<128x128xf32>
    %broadcast_in_dim3A_53 = vector.shape_cast %add3A_49 : vector<1x128xf32> to vector<1x128xf32>
    %broadcast_in_dim3A_54 = vector.broadcast %broadcast_in_dim3A_53 : vector<1x128xf32> to vector<128x128xf32>
    %concatenate3A = tpu.concatenate %get3A_52, %broadcast_in_dim3A_54 in 1 : vector<128x128xf32>, vector<128x128xf32> -> vector<128x256xf32>
    %get3A_55 = arith.constant 0 : index
    %get3A_56 = arith.constant 0 : index
    %get3A_57 = vector.load %arg9[%get3A_55, %get3A_56] : memref<256x128xf32, #tpu.memory_space<vmem>>, vector<256x128xf32>
    %dot_general3A_58 = arith.constant dense<0.000000e+00> : vector<128x128xf32>
    %dot_general3A_59 = tpu.matmul %concatenate3A, %get3A_57, %dot_general3A_58 {dimension_numbers = #tpu.dot_dimension_numbers<[1], [0], [0], [1], [0, 0, 1, 1], [], []>, transpose_lhs_hint = false} : vector<128x256xf32>, vector<256x128xf32>, vector<128x128xf32> -> vector<128x128xf32>
    %get3A_60 = arith.constant 0 : index
    %get3A_61 = arith.constant 0 : index
    %get3A_62 = vector.load %arg10[%get3A_60, %get3A_61] : memref<1x128xf32, #tpu.memory_space<vmem>>, vector<1x128xf32>
    %add3A_63 = vector.broadcast %get3A_62 : vector<1x128xf32> to vector<128x128xf32>
    %add3A_64 = arith.addf %dot_general3A_59, %add3A_63 : vector<128x128xf32>
    %max3A_65 = arith.constant 0.000000e+00 : f32
    %max3A_66 = vector.broadcast %max3A_65 : f32 to vector<128x128xf32>
    %max3A_67 = arith.maximumf %add3A_64, %max3A_66 : vector<128x128xf32>
    %get3A_68 = arith.constant 0 : index
    %get3A_69 = arith.constant 0 : index
    %get3A_70 = vector.load %arg11[%get3A_68, %get3A_69] : memref<128x128xf32, #tpu.memory_space<vmem>>, vector<128x128xf32>
    %dot_general3A_71 = arith.constant dense<0.000000e+00> : vector<128x128xf32>
    %dot_general3A_72 = tpu.matmul %max3A_67, %get3A_70, %dot_general3A_71 {dimension_numbers = #tpu.dot_dimension_numbers<[1], [0], [0], [1], [0, 0, 1, 1], [], []>, transpose_lhs_hint = false} : vector<128x128xf32>, vector<128x128xf32>, vector<128x128xf32> -> vector<128x128xf32>
    %get3A_73 = arith.constant 0 : index
    %get3A_74 = arith.constant 0 : index
    %get3A_75 = vector.load %arg12[%get3A_73, %get3A_74] : memref<1x128xf32, #tpu.memory_space<vmem>>, vector<1x128xf32>
    %add3A_76 = vector.broadcast %get3A_75 : vector<1x128xf32> to vector<128x128xf32>
    %add3A_77 = arith.addf %dot_general3A_72, %add3A_76 : vector<128x128xf32>
    %get3A_78 = arith.constant 0 : index
    %get3A_79 = arith.constant 0 : index
    %get3A_80 = arith.constant 0 : index
    %get3A_81 = vector.load %arg13[%get3A_78, %get3A_79, %get3A_80] : memref<4x128x128xf32, #tpu.memory_space<vmem>>, vector<1x128x128xf32>
    %get3A_82 = vector.shape_cast %get3A_81 : vector<1x128x128xf32> to vector<128x128xf32>
    %dot_general3A_83 = arith.constant dense<0.000000e+00> : vector<128x128xf32>
    %dot_general3A_84 = tpu.matmul %add3A_77, %get3A_82, %dot_general3A_83 {dimension_numbers = #tpu.dot_dimension_numbers<[1], [0], [0], [1], [0, 0, 1, 1], [], []>, transpose_lhs_hint = false} : vector<128x128xf32>, vector<128x128xf32>, vector<128x128xf32> -> vector<128x128xf32>
    %dot_general3A_85 = arith.constant dense<0.000000e+00> : vector<128x128xf32>
    %dot_general3A_86 = tpu.matmul %dot_general3A_25, %dot_general3A_84, %dot_general3A_85 {dimension_numbers = #tpu.dot_dimension_numbers<[1], [0], [0], [1], [0, 0, 1, 1], [], []>, precision = #tpu.contract_precision<fp32>, transpose_lhs_hint = false} : vector<128x128xf32>, vector<128x128xf32>, vector<128x128xf32> -> vector<128x128xf32>
    %get3A_87 = arith.constant 0 : index
    %get3A_88 = arith.constant 0 : index
    %get3A_89 = arith.constant 0 : index
    %get3A_90 = vector.load %arg14[%get3A_87, %get3A_88, %get3A_89] : memref<4x128x128xf32, #tpu.memory_space<vmem>>, vector<1x128x128xf32>
    %get3A_91 = vector.shape_cast %get3A_90 : vector<1x128x128xf32> to vector<128x128xf32>
    %dot_general3A_92 = arith.constant dense<0.000000e+00> : vector<128x128xf32>
    %dot_general3A_93 = tpu.matmul %dot_general3A_86, %get3A_91, %dot_general3A_92 {dimension_numbers = #tpu.dot_dimension_numbers<[1], [0], [0], [1], [0, 0, 1, 1], [], []>, transpose_lhs_hint = false} : vector<128x128xf32>, vector<128x128xf32>, vector<128x128xf32> -> vector<128x128xf32>
    %get3A_94 = arith.constant 0 : index
    %get3A_95 = arith.constant 0 : index
    %get3A_96 = arith.constant 0 : index
    %get3A_97 = vector.load %arg15[%get3A_94, %get3A_95, %get3A_96] : memref<4x1x128xf32, #tpu.memory_space<vmem>>, vector<1x1x128xf32>
    %get3A_98 = vector.shape_cast %get3A_97 : vector<1x1x128xf32> to vector<1x128xf32>
    %add3A_99 = vector.broadcast %get3A_98 : vector<1x128xf32> to vector<128x128xf32>
    %add3A_100 = arith.addf %dot_general3A_93, %add3A_99 : vector<128x128xf32>
    %max3A_101 = arith.constant 0.000000e+00 : f32
    %max3A_102 = vector.broadcast %max3A_101 : f32 to vector<128x128xf32>
    %max3A_103 = arith.maximumf %add3A_100, %max3A_102 : vector<128x128xf32>
    %get3A_104 = arith.constant 0 : index
    %get3A_105 = arith.constant 0 : index
    %get3A_106 = arith.constant 0 : index
    %get3A_107 = vector.load %arg16[%get3A_104, %get3A_105, %get3A_106] : memref<4x128x128xf32, #tpu.memory_space<vmem>>, vector<1x128x128xf32>
    %get3A_108 = vector.shape_cast %get3A_107 : vector<1x128x128xf32> to vector<128x128xf32>
    %dot_general3A_109 = arith.constant dense<0.000000e+00> : vector<128x128xf32>
    %dot_general3A_110 = tpu.matmul %max3A_103, %get3A_108, %dot_general3A_109 {dimension_numbers = #tpu.dot_dimension_numbers<[1], [0], [0], [1], [0, 0, 1, 1], [], []>, transpose_lhs_hint = false} : vector<128x128xf32>, vector<128x128xf32>, vector<128x128xf32> -> vector<128x128xf32>
    %get3A_111 = arith.constant 0 : index
    %get3A_112 = arith.constant 0 : index
    %get3A_113 = arith.constant 0 : index
    %get3A_114 = vector.load %arg17[%get3A_111, %get3A_112, %get3A_113] : memref<4x1x128xf32, #tpu.memory_space<vmem>>, vector<1x1x128xf32>
    %get3A_115 = vector.shape_cast %get3A_114 : vector<1x1x128xf32> to vector<1x128xf32>
    %add3A_116 = vector.broadcast %get3A_115 : vector<1x128xf32> to vector<128x128xf32>
    %add3A_117 = arith.addf %dot_general3A_110, %add3A_116 : vector<128x128xf32>
    %add3A_118 = arith.addf %add3A_77, %add3A_117 : vector<128x128xf32>
    %reduce_sum3A = arith.constant dense<0.000000e+00> : vector<128xf32>
    %reduce_sum3A_119 = vector.multi_reduction <add>, %add3A_118, %reduce_sum3A [1] : vector<128x128xf32> to vector<128xf32>
    %broadcast_in_dim3A_120 = vector.shape_cast %reduce_sum3A_119 : vector<128xf32> to vector<128x1xf32>
    %div3A = arith.constant 1.280000e+02 : f32
    %div3A_121 = vector.broadcast %div3A : f32 to vector<128x1xf32>
    %div3A_122 = arith.divf %broadcast_in_dim3A_120, %div3A_121 : vector<128x1xf32>
    %sub3A_123 = vector.broadcast %div3A_122 : vector<128x1xf32> to vector<128x128xf32>
    %sub3A_124 = arith.subf %add3A_118, %sub3A_123 : vector<128x128xf32>
    %integer_pow3A = arith.mulf %sub3A_124, %sub3A_124 : vector<128x128xf32>
    %reduce_sum3A_125 = arith.constant dense<0.000000e+00> : vector<128xf32>
    %reduce_sum3A_126 = vector.multi_reduction <add>, %integer_pow3A, %reduce_sum3A_125 [1] : vector<128x128xf32> to vector<128xf32>
    %broadcast_in_dim3A_127 = vector.shape_cast %reduce_sum3A_126 : vector<128xf32> to vector<128x1xf32>
    %div3A_128 = arith.constant 1.280000e+02 : f32
    %div3A_129 = vector.broadcast %div3A_128 : f32 to vector<128x1xf32>
    %div3A_130 = arith.divf %broadcast_in_dim3A_127, %div3A_129 : vector<128x1xf32>
    %sub3A_131 = vector.broadcast %div3A_122 : vector<128x1xf32> to vector<128x128xf32>
    %sub3A_132 = arith.subf %add3A_118, %sub3A_131 : vector<128x128xf32>
    %add3A_133 = arith.constant 9.99999974E-6 : f32
    %add3A_134 = vector.broadcast %add3A_133 : f32 to vector<128x1xf32>
    %add3A_135 = arith.addf %div3A_130, %add3A_134 : vector<128x1xf32>
    %sqrt3A = math.sqrt %add3A_135 : vector<128x1xf32>
    %div3A_136 = vector.broadcast %sqrt3A : vector<128x1xf32> to vector<128x128xf32>
    %div3A_137 = arith.divf %sub3A_132, %div3A_136 : vector<128x128xf32>
    %get3A_138 = arith.constant 0 : index
    %get3A_139 = arith.constant 0 : index
    %get3A_140 = arith.constant 0 : index
    %get3A_141 = vector.load %arg18[%get3A_138, %get3A_139, %get3A_140] : memref<4x1x128xf32, #tpu.memory_space<vmem>>, vector<1x1x128xf32>
    %get3A_142 = vector.shape_cast %get3A_141 : vector<1x1x128xf32> to vector<1x128xf32>
    %mul3A_143 = vector.broadcast %get3A_142 : vector<1x128xf32> to vector<128x128xf32>
    %mul3A_144 = arith.mulf %div3A_137, %mul3A_143 : vector<128x128xf32>
    %get3A_145 = arith.constant 0 : index
    %get3A_146 = arith.constant 0 : index
    %get3A_147 = arith.constant 0 : index
    %get3A_148 = vector.load %arg19[%get3A_145, %get3A_146, %get3A_147] : memref<4x1x128xf32, #tpu.memory_space<vmem>>, vector<1x1x128xf32>
    %get3A_149 = vector.shape_cast %get3A_148 : vector<1x1x128xf32> to vector<1x128xf32>
    %add3A_150 = vector.broadcast %get3A_149 : vector<1x128xf32> to vector<128x128xf32>
    %add3A_151 = arith.addf %mul3A_144, %add3A_150 : vector<128x128xf32>
    %get3A_152 = arith.constant 1 : index
    %get3A_153 = arith.constant 0 : index
    %get3A_154 = arith.constant 0 : index
    %get3A_155 = vector.load %arg13[%get3A_152, %get3A_153, %get3A_154] : memref<4x128x128xf32, #tpu.memory_space<vmem>>, vector<1x128x128xf32>
    %get3A_156 = vector.shape_cast %get3A_155 : vector<1x128x128xf32> to vector<128x128xf32>
    %dot_general3A_157 = arith.constant dense<0.000000e+00> : vector<128x128xf32>
    %dot_general3A_158 = tpu.matmul %add3A_151, %get3A_156, %dot_general3A_157 {dimension_numbers = #tpu.dot_dimension_numbers<[1], [0], [0], [1], [0, 0, 1, 1], [], []>, transpose_lhs_hint = false} : vector<128x128xf32>, vector<128x128xf32>, vector<128x128xf32> -> vector<128x128xf32>
    %dot_general3A_159 = arith.constant dense<0.000000e+00> : vector<128x128xf32>
    %dot_general3A_160 = tpu.matmul %dot_general3A_25, %dot_general3A_158, %dot_general3A_159 {dimension_numbers = #tpu.dot_dimension_numbers<[1], [0], [0], [1], [0, 0, 1, 1], [], []>, precision = #tpu.contract_precision<fp32>, transpose_lhs_hint = false} : vector<128x128xf32>, vector<128x128xf32>, vector<128x128xf32> -> vector<128x128xf32>
    %get3A_161 = arith.constant 1 : index
    %get3A_162 = arith.constant 0 : index
    %get3A_163 = arith.constant 0 : index
    %get3A_164 = vector.load %arg14[%get3A_161, %get3A_162, %get3A_163] : memref<4x128x128xf32, #tpu.memory_space<vmem>>, vector<1x128x128xf32>
    %get3A_165 = vector.shape_cast %get3A_164 : vector<1x128x128xf32> to vector<128x128xf32>
    %dot_general3A_166 = arith.constant dense<0.000000e+00> : vector<128x128xf32>
    %dot_general3A_167 = tpu.matmul %dot_general3A_160, %get3A_165, %dot_general3A_166 {dimension_numbers = #tpu.dot_dimension_numbers<[1], [0], [0], [1], [0, 0, 1, 1], [], []>, transpose_lhs_hint = false} : vector<128x128xf32>, vector<128x128xf32>, vector<128x128xf32> -> vector<128x128xf32>
    %get3A_168 = arith.constant 1 : index
    %get3A_169 = arith.constant 0 : index
    %get3A_170 = arith.constant 0 : index
    %get3A_171 = vector.load %arg15[%get3A_168, %get3A_169, %get3A_170] : memref<4x1x128xf32, #tpu.memory_space<vmem>>, vector<1x1x128xf32>
    %get3A_172 = vector.shape_cast %get3A_171 : vector<1x1x128xf32> to vector<1x128xf32>
    %add3A_173 = vector.broadcast %get3A_172 : vector<1x128xf32> to vector<128x128xf32>
    %add3A_174 = arith.addf %dot_general3A_167, %add3A_173 : vector<128x128xf32>
    %max3A_175 = arith.constant 0.000000e+00 : f32
    %max3A_176 = vector.broadcast %max3A_175 : f32 to vector<128x128xf32>
    %max3A_177 = arith.maximumf %add3A_174, %max3A_176 : vector<128x128xf32>
    %get3A_178 = arith.constant 1 : index
    %get3A_179 = arith.constant 0 : index
    %get3A_180 = arith.constant 0 : index
    %get3A_181 = vector.load %arg16[%get3A_178, %get3A_179, %get3A_180] : memref<4x128x128xf32, #tpu.memory_space<vmem>>, vector<1x128x128xf32>
    %get3A_182 = vector.shape_cast %get3A_181 : vector<1x128x128xf32> to vector<128x128xf32>
    %dot_general3A_183 = arith.constant dense<0.000000e+00> : vector<128x128xf32>
    %dot_general3A_184 = tpu.matmul %max3A_177, %get3A_182, %dot_general3A_183 {dimension_numbers = #tpu.dot_dimension_numbers<[1], [0], [0], [1], [0, 0, 1, 1], [], []>, transpose_lhs_hint = false} : vector<128x128xf32>, vector<128x128xf32>, vector<128x128xf32> -> vector<128x128xf32>
    %get3A_185 = arith.constant 1 : index
    %get3A_186 = arith.constant 0 : index
    %get3A_187 = arith.constant 0 : index
    %get3A_188 = vector.load %arg17[%get3A_185, %get3A_186, %get3A_187] : memref<4x1x128xf32, #tpu.memory_space<vmem>>, vector<1x1x128xf32>
    %get3A_189 = vector.shape_cast %get3A_188 : vector<1x1x128xf32> to vector<1x128xf32>
    %add3A_190 = vector.broadcast %get3A_189 : vector<1x128xf32> to vector<128x128xf32>
    %add3A_191 = arith.addf %dot_general3A_184, %add3A_190 : vector<128x128xf32>
    %add3A_192 = arith.addf %add3A_151, %add3A_191 : vector<128x128xf32>
    %reduce_sum3A_193 = arith.constant dense<0.000000e+00> : vector<128xf32>
    %reduce_sum3A_194 = vector.multi_reduction <add>, %add3A_192, %reduce_sum3A_193 [1] : vector<128x128xf32> to vector<128xf32>
    %broadcast_in_dim3A_195 = vector.shape_cast %reduce_sum3A_194 : vector<128xf32> to vector<128x1xf32>
    %div3A_196 = arith.constant 1.280000e+02 : f32
    %div3A_197 = vector.broadcast %div3A_196 : f32 to vector<128x1xf32>
    %div3A_198 = arith.divf %broadcast_in_dim3A_195, %div3A_197 : vector<128x1xf32>
    %sub3A_199 = vector.broadcast %div3A_198 : vector<128x1xf32> to vector<128x128xf32>
    %sub3A_200 = arith.subf %add3A_192, %sub3A_199 : vector<128x128xf32>
    %integer_pow3A_201 = arith.mulf %sub3A_200, %sub3A_200 : vector<128x128xf32>
    %reduce_sum3A_202 = arith.constant dense<0.000000e+00> : vector<128xf32>
    %reduce_sum3A_203 = vector.multi_reduction <add>, %integer_pow3A_201, %reduce_sum3A_202 [1] : vector<128x128xf32> to vector<128xf32>
    %broadcast_in_dim3A_204 = vector.shape_cast %reduce_sum3A_203 : vector<128xf32> to vector<128x1xf32>
    %div3A_205 = arith.constant 1.280000e+02 : f32
    %div3A_206 = vector.broadcast %div3A_205 : f32 to vector<128x1xf32>
    %div3A_207 = arith.divf %broadcast_in_dim3A_204, %div3A_206 : vector<128x1xf32>
    %sub3A_208 = vector.broadcast %div3A_198 : vector<128x1xf32> to vector<128x128xf32>
    %sub3A_209 = arith.subf %add3A_192, %sub3A_208 : vector<128x128xf32>
    %add3A_210 = arith.constant 9.99999974E-6 : f32
    %add3A_211 = vector.broadcast %add3A_210 : f32 to vector<128x1xf32>
    %add3A_212 = arith.addf %div3A_207, %add3A_211 : vector<128x1xf32>
    %sqrt3A_213 = math.sqrt %add3A_212 : vector<128x1xf32>
    %div3A_214 = vector.broadcast %sqrt3A_213 : vector<128x1xf32> to vector<128x128xf32>
    %div3A_215 = arith.divf %sub3A_209, %div3A_214 : vector<128x128xf32>
    %get3A_216 = arith.constant 1 : index
    %get3A_217 = arith.constant 0 : index
    %get3A_218 = arith.constant 0 : index
    %get3A_219 = vector.load %arg18[%get3A_216, %get3A_217, %get3A_218] : memref<4x1x128xf32, #tpu.memory_space<vmem>>, vector<1x1x128xf32>
    %get3A_220 = vector.shape_cast %get3A_219 : vector<1x1x128xf32> to vector<1x128xf32>
    %mul3A_221 = vector.broadcast %get3A_220 : vector<1x128xf32> to vector<128x128xf32>
    %mul3A_222 = arith.mulf %div3A_215, %mul3A_221 : vector<128x128xf32>
    %get3A_223 = arith.constant 1 : index
    %get3A_224 = arith.constant 0 : index
    %get3A_225 = arith.constant 0 : index
    %get3A_226 = vector.load %arg19[%get3A_223, %get3A_224, %get3A_225] : memref<4x1x128xf32, #tpu.memory_space<vmem>>, vector<1x1x128xf32>
    %get3A_227 = vector.shape_cast %get3A_226 : vector<1x1x128xf32> to vector<1x128xf32>
    %add3A_228 = vector.broadcast %get3A_227 : vector<1x128xf32> to vector<128x128xf32>
    %add3A_229 = arith.addf %mul3A_222, %add3A_228 : vector<128x128xf32>
    %get3A_230 = arith.constant 2 : index
    %get3A_231 = arith.constant 0 : index
    %get3A_232 = arith.constant 0 : index
    %get3A_233 = vector.load %arg13[%get3A_230, %get3A_231, %get3A_232] : memref<4x128x128xf32, #tpu.memory_space<vmem>>, vector<1x128x128xf32>
    %get3A_234 = vector.shape_cast %get3A_233 : vector<1x128x128xf32> to vector<128x128xf32>
    %dot_general3A_235 = arith.constant dense<0.000000e+00> : vector<128x128xf32>
    %dot_general3A_236 = tpu.matmul %add3A_229, %get3A_234, %dot_general3A_235 {dimension_numbers = #tpu.dot_dimension_numbers<[1], [0], [0], [1], [0, 0, 1, 1], [], []>, transpose_lhs_hint = false} : vector<128x128xf32>, vector<128x128xf32>, vector<128x128xf32> -> vector<128x128xf32>
    %dot_general3A_237 = arith.constant dense<0.000000e+00> : vector<128x128xf32>
    %dot_general3A_238 = tpu.matmul %dot_general3A_25, %dot_general3A_236, %dot_general3A_237 {dimension_numbers = #tpu.dot_dimension_numbers<[1], [0], [0], [1], [0, 0, 1, 1], [], []>, precision = #tpu.contract_precision<fp32>, transpose_lhs_hint = false} : vector<128x128xf32>, vector<128x128xf32>, vector<128x128xf32> -> vector<128x128xf32>
    %get3A_239 = arith.constant 2 : index
    %get3A_240 = arith.constant 0 : index
    %get3A_241 = arith.constant 0 : index
    %get3A_242 = vector.load %arg14[%get3A_239, %get3A_240, %get3A_241] : memref<4x128x128xf32, #tpu.memory_space<vmem>>, vector<1x128x128xf32>
    %get3A_243 = vector.shape_cast %get3A_242 : vector<1x128x128xf32> to vector<128x128xf32>
    %dot_general3A_244 = arith.constant dense<0.000000e+00> : vector<128x128xf32>
    %dot_general3A_245 = tpu.matmul %dot_general3A_238, %get3A_243, %dot_general3A_244 {dimension_numbers = #tpu.dot_dimension_numbers<[1], [0], [0], [1], [0, 0, 1, 1], [], []>, transpose_lhs_hint = false} : vector<128x128xf32>, vector<128x128xf32>, vector<128x128xf32> -> vector<128x128xf32>
    %get3A_246 = arith.constant 2 : index
    %get3A_247 = arith.constant 0 : index
    %get3A_248 = arith.constant 0 : index
    %get3A_249 = vector.load %arg15[%get3A_246, %get3A_247, %get3A_248] : memref<4x1x128xf32, #tpu.memory_space<vmem>>, vector<1x1x128xf32>
    %get3A_250 = vector.shape_cast %get3A_249 : vector<1x1x128xf32> to vector<1x128xf32>
    %add3A_251 = vector.broadcast %get3A_250 : vector<1x128xf32> to vector<128x128xf32>
    %add3A_252 = arith.addf %dot_general3A_245, %add3A_251 : vector<128x128xf32>
    %max3A_253 = arith.constant 0.000000e+00 : f32
    %max3A_254 = vector.broadcast %max3A_253 : f32 to vector<128x128xf32>
    %max3A_255 = arith.maximumf %add3A_252, %max3A_254 : vector<128x128xf32>
    %get3A_256 = arith.constant 2 : index
    %get3A_257 = arith.constant 0 : index
    %get3A_258 = arith.constant 0 : index
    %get3A_259 = vector.load %arg16[%get3A_256, %get3A_257, %get3A_258] : memref<4x128x128xf32, #tpu.memory_space<vmem>>, vector<1x128x128xf32>
    %get3A_260 = vector.shape_cast %get3A_259 : vector<1x128x128xf32> to vector<128x128xf32>
    %dot_general3A_261 = arith.constant dense<0.000000e+00> : vector<128x128xf32>
    %dot_general3A_262 = tpu.matmul %max3A_255, %get3A_260, %dot_general3A_261 {dimension_numbers = #tpu.dot_dimension_numbers<[1], [0], [0], [1], [0, 0, 1, 1], [], []>, transpose_lhs_hint = false} : vector<128x128xf32>, vector<128x128xf32>, vector<128x128xf32> -> vector<128x128xf32>
    %get3A_263 = arith.constant 2 : index
    %get3A_264 = arith.constant 0 : index
    %get3A_265 = arith.constant 0 : index
    %get3A_266 = vector.load %arg17[%get3A_263, %get3A_264, %get3A_265] : memref<4x1x128xf32, #tpu.memory_space<vmem>>, vector<1x1x128xf32>
    %get3A_267 = vector.shape_cast %get3A_266 : vector<1x1x128xf32> to vector<1x128xf32>
    %add3A_268 = vector.broadcast %get3A_267 : vector<1x128xf32> to vector<128x128xf32>
    %add3A_269 = arith.addf %dot_general3A_262, %add3A_268 : vector<128x128xf32>
    %add3A_270 = arith.addf %add3A_229, %add3A_269 : vector<128x128xf32>
    %reduce_sum3A_271 = arith.constant dense<0.000000e+00> : vector<128xf32>
    %reduce_sum3A_272 = vector.multi_reduction <add>, %add3A_270, %reduce_sum3A_271 [1] : vector<128x128xf32> to vector<128xf32>
    %broadcast_in_dim3A_273 = vector.shape_cast %reduce_sum3A_272 : vector<128xf32> to vector<128x1xf32>
    %div3A_274 = arith.constant 1.280000e+02 : f32
    %div3A_275 = vector.broadcast %div3A_274 : f32 to vector<128x1xf32>
    %div3A_276 = arith.divf %broadcast_in_dim3A_273, %div3A_275 : vector<128x1xf32>
    %sub3A_277 = vector.broadcast %div3A_276 : vector<128x1xf32> to vector<128x128xf32>
    %sub3A_278 = arith.subf %add3A_270, %sub3A_277 : vector<128x128xf32>
    %integer_pow3A_279 = arith.mulf %sub3A_278, %sub3A_278 : vector<128x128xf32>
    %reduce_sum3A_280 = arith.constant dense<0.000000e+00> : vector<128xf32>
    %reduce_sum3A_281 = vector.multi_reduction <add>, %integer_pow3A_279, %reduce_sum3A_280 [1] : vector<128x128xf32> to vector<128xf32>
    %broadcast_in_dim3A_282 = vector.shape_cast %reduce_sum3A_281 : vector<128xf32> to vector<128x1xf32>
    %div3A_283 = arith.constant 1.280000e+02 : f32
    %div3A_284 = vector.broadcast %div3A_283 : f32 to vector<128x1xf32>
    %div3A_285 = arith.divf %broadcast_in_dim3A_282, %div3A_284 : vector<128x1xf32>
    %sub3A_286 = vector.broadcast %div3A_276 : vector<128x1xf32> to vector<128x128xf32>
    %sub3A_287 = arith.subf %add3A_270, %sub3A_286 : vector<128x128xf32>
    %add3A_288 = arith.constant 9.99999974E-6 : f32
    %add3A_289 = vector.broadcast %add3A_288 : f32 to vector<128x1xf32>
    %add3A_290 = arith.addf %div3A_285, %add3A_289 : vector<128x1xf32>
    %sqrt3A_291 = math.sqrt %add3A_290 : vector<128x1xf32>
    %div3A_292 = vector.broadcast %sqrt3A_291 : vector<128x1xf32> to vector<128x128xf32>
    %div3A_293 = arith.divf %sub3A_287, %div3A_292 : vector<128x128xf32>
    %get3A_294 = arith.constant 2 : index
    %get3A_295 = arith.constant 0 : index
    %get3A_296 = arith.constant 0 : index
    %get3A_297 = vector.load %arg18[%get3A_294, %get3A_295, %get3A_296] : memref<4x1x128xf32, #tpu.memory_space<vmem>>, vector<1x1x128xf32>
    %get3A_298 = vector.shape_cast %get3A_297 : vector<1x1x128xf32> to vector<1x128xf32>
    %mul3A_299 = vector.broadcast %get3A_298 : vector<1x128xf32> to vector<128x128xf32>
    %mul3A_300 = arith.mulf %div3A_293, %mul3A_299 : vector<128x128xf32>
    %get3A_301 = arith.constant 2 : index
    %get3A_302 = arith.constant 0 : index
    %get3A_303 = arith.constant 0 : index
    %get3A_304 = vector.load %arg19[%get3A_301, %get3A_302, %get3A_303] : memref<4x1x128xf32, #tpu.memory_space<vmem>>, vector<1x1x128xf32>
    %get3A_305 = vector.shape_cast %get3A_304 : vector<1x1x128xf32> to vector<1x128xf32>
    %add3A_306 = vector.broadcast %get3A_305 : vector<1x128xf32> to vector<128x128xf32>
    %add3A_307 = arith.addf %mul3A_300, %add3A_306 : vector<128x128xf32>
    %get3A_308 = arith.constant 3 : index
    %get3A_309 = arith.constant 0 : index
    %get3A_310 = arith.constant 0 : index
    %get3A_311 = vector.load %arg13[%get3A_308, %get3A_309, %get3A_310] : memref<4x128x128xf32, #tpu.memory_space<vmem>>, vector<1x128x128xf32>
    %get3A_312 = vector.shape_cast %get3A_311 : vector<1x128x128xf32> to vector<128x128xf32>
    %dot_general3A_313 = arith.constant dense<0.000000e+00> : vector<128x128xf32>
    %dot_general3A_314 = tpu.matmul %add3A_307, %get3A_312, %dot_general3A_313 {dimension_numbers = #tpu.dot_dimension_numbers<[1], [0], [0], [1], [0, 0, 1, 1], [], []>, transpose_lhs_hint = false} : vector<128x128xf32>, vector<128x128xf32>, vector<128x128xf32> -> vector<128x128xf32>
    %dot_general3A_315 = arith.constant dense<0.000000e+00> : vector<128x128xf32>
    %dot_general3A_316 = tpu.matmul %dot_general3A_25, %dot_general3A_314, %dot_general3A_315 {dimension_numbers = #tpu.dot_dimension_numbers<[1], [0], [0], [1], [0, 0, 1, 1], [], []>, precision = #tpu.contract_precision<fp32>, transpose_lhs_hint = false} : vector<128x128xf32>, vector<128x128xf32>, vector<128x128xf32> -> vector<128x128xf32>
    %get3A_317 = arith.constant 3 : index
    %get3A_318 = arith.constant 0 : index
    %get3A_319 = arith.constant 0 : index
    %get3A_320 = vector.load %arg14[%get3A_317, %get3A_318, %get3A_319] : memref<4x128x128xf32, #tpu.memory_space<vmem>>, vector<1x128x128xf32>
    %get3A_321 = vector.shape_cast %get3A_320 : vector<1x128x128xf32> to vector<128x128xf32>
    %dot_general3A_322 = arith.constant dense<0.000000e+00> : vector<128x128xf32>
    %dot_general3A_323 = tpu.matmul %dot_general3A_316, %get3A_321, %dot_general3A_322 {dimension_numbers = #tpu.dot_dimension_numbers<[1], [0], [0], [1], [0, 0, 1, 1], [], []>, transpose_lhs_hint = false} : vector<128x128xf32>, vector<128x128xf32>, vector<128x128xf32> -> vector<128x128xf32>
    %get3A_324 = arith.constant 3 : index
    %get3A_325 = arith.constant 0 : index
    %get3A_326 = arith.constant 0 : index
    %get3A_327 = vector.load %arg15[%get3A_324, %get3A_325, %get3A_326] : memref<4x1x128xf32, #tpu.memory_space<vmem>>, vector<1x1x128xf32>
    %get3A_328 = vector.shape_cast %get3A_327 : vector<1x1x128xf32> to vector<1x128xf32>
    %add3A_329 = vector.broadcast %get3A_328 : vector<1x128xf32> to vector<128x128xf32>
    %add3A_330 = arith.addf %dot_general3A_323, %add3A_329 : vector<128x128xf32>
    %max3A_331 = arith.constant 0.000000e+00 : f32
    %max3A_332 = vector.broadcast %max3A_331 : f32 to vector<128x128xf32>
    %max3A_333 = arith.maximumf %add3A_330, %max3A_332 : vector<128x128xf32>
    %get3A_334 = arith.constant 3 : index
    %get3A_335 = arith.constant 0 : index
    %get3A_336 = arith.constant 0 : index
    %get3A_337 = vector.load %arg16[%get3A_334, %get3A_335, %get3A_336] : memref<4x128x128xf32, #tpu.memory_space<vmem>>, vector<1x128x128xf32>
    %get3A_338 = vector.shape_cast %get3A_337 : vector<1x128x128xf32> to vector<128x128xf32>
    %dot_general3A_339 = arith.constant dense<0.000000e+00> : vector<128x128xf32>
    %dot_general3A_340 = tpu.matmul %max3A_333, %get3A_338, %dot_general3A_339 {dimension_numbers = #tpu.dot_dimension_numbers<[1], [0], [0], [1], [0, 0, 1, 1], [], []>, transpose_lhs_hint = false} : vector<128x128xf32>, vector<128x128xf32>, vector<128x128xf32> -> vector<128x128xf32>
    %get3A_341 = arith.constant 3 : index
    %get3A_342 = arith.constant 0 : index
    %get3A_343 = arith.constant 0 : index
    %get3A_344 = vector.load %arg17[%get3A_341, %get3A_342, %get3A_343] : memref<4x1x128xf32, #tpu.memory_space<vmem>>, vector<1x1x128xf32>
    %get3A_345 = vector.shape_cast %get3A_344 : vector<1x1x128xf32> to vector<1x128xf32>
    %add3A_346 = vector.broadcast %get3A_345 : vector<1x128xf32> to vector<128x128xf32>
    %add3A_347 = arith.addf %dot_general3A_340, %add3A_346 : vector<128x128xf32>
    %add3A_348 = arith.addf %add3A_307, %add3A_347 : vector<128x128xf32>
    %reduce_sum3A_349 = arith.constant dense<0.000000e+00> : vector<128xf32>
    %reduce_sum3A_350 = vector.multi_reduction <add>, %add3A_348, %reduce_sum3A_349 [1] : vector<128x128xf32> to vector<128xf32>
    %broadcast_in_dim3A_351 = vector.shape_cast %reduce_sum3A_350 : vector<128xf32> to vector<128x1xf32>
    %div3A_352 = arith.constant 1.280000e+02 : f32
    %div3A_353 = vector.broadcast %div3A_352 : f32 to vector<128x1xf32>
    %div3A_354 = arith.divf %broadcast_in_dim3A_351, %div3A_353 : vector<128x1xf32>
    %sub3A_355 = vector.broadcast %div3A_354 : vector<128x1xf32> to vector<128x128xf32>
    %sub3A_356 = arith.subf %add3A_348, %sub3A_355 : vector<128x128xf32>
    %integer_pow3A_357 = arith.mulf %sub3A_356, %sub3A_356 : vector<128x128xf32>
    %reduce_sum3A_358 = arith.constant dense<0.000000e+00> : vector<128xf32>
    %reduce_sum3A_359 = vector.multi_reduction <add>, %integer_pow3A_357, %reduce_sum3A_358 [1] : vector<128x128xf32> to vector<128xf32>
    %broadcast_in_dim3A_360 = vector.shape_cast %reduce_sum3A_359 : vector<128xf32> to vector<128x1xf32>
    %div3A_361 = arith.constant 1.280000e+02 : f32
    %div3A_362 = vector.broadcast %div3A_361 : f32 to vector<128x1xf32>
    %div3A_363 = arith.divf %broadcast_in_dim3A_360, %div3A_362 : vector<128x1xf32>
    %sub3A_364 = vector.broadcast %div3A_354 : vector<128x1xf32> to vector<128x128xf32>
    %sub3A_365 = arith.subf %add3A_348, %sub3A_364 : vector<128x128xf32>
    %add3A_366 = arith.constant 9.99999974E-6 : f32
    %add3A_367 = vector.broadcast %add3A_366 : f32 to vector<128x1xf32>
    %add3A_368 = arith.addf %div3A_363, %add3A_367 : vector<128x1xf32>
    %sqrt3A_369 = math.sqrt %add3A_368 : vector<128x1xf32>
    %div3A_370 = vector.broadcast %sqrt3A_369 : vector<128x1xf32> to vector<128x128xf32>
    %div3A_371 = arith.divf %sub3A_365, %div3A_370 : vector<128x128xf32>
    %get3A_372 = arith.constant 3 : index
    %get3A_373 = arith.constant 0 : index
    %get3A_374 = arith.constant 0 : index
    %get3A_375 = vector.load %arg18[%get3A_372, %get3A_373, %get3A_374] : memref<4x1x128xf32, #tpu.memory_space<vmem>>, vector<1x1x128xf32>
    %get3A_376 = vector.shape_cast %get3A_375 : vector<1x1x128xf32> to vector<1x128xf32>
    %mul3A_377 = vector.broadcast %get3A_376 : vector<1x128xf32> to vector<128x128xf32>
    %mul3A_378 = arith.mulf %div3A_371, %mul3A_377 : vector<128x128xf32>
    %get3A_379 = arith.constant 3 : index
    %get3A_380 = arith.constant 0 : index
    %get3A_381 = arith.constant 0 : index
    %get3A_382 = vector.load %arg19[%get3A_379, %get3A_380, %get3A_381] : memref<4x1x128xf32, #tpu.memory_space<vmem>>, vector<1x1x128xf32>
    %get3A_383 = vector.shape_cast %get3A_382 : vector<1x1x128xf32> to vector<1x128xf32>
    %add3A_384 = vector.broadcast %get3A_383 : vector<1x128xf32> to vector<128x128xf32>
    %add3A_385 = arith.addf %mul3A_378, %add3A_384 : vector<128x128xf32>
    %get3A_386 = arith.constant 0 : index
    %get3A_387 = arith.constant 0 : index
    %get3A_388 = vector.load %arg20[%get3A_386, %get3A_387] : memref<128x64xf32, #tpu.memory_space<vmem>>, vector<128x64xf32>
    %dot_general3A_389 = arith.constant dense<0.000000e+00> : vector<128x64xf32>
    %dot_general3A_390 = tpu.matmul %add3A_385, %get3A_388, %dot_general3A_389 {dimension_numbers = #tpu.dot_dimension_numbers<[1], [0], [0], [1], [0, 0, 1, 1], [], []>, transpose_lhs_hint = false} : vector<128x128xf32>, vector<128x64xf32>, vector<128x64xf32> -> vector<128x64xf32>
    %get3A_391 = arith.constant 0 : index
    %get3A_392 = arith.constant 0 : index
    %get3A_393 = vector.load %arg21[%get3A_391, %get3A_392] : memref<1x64xf32, #tpu.memory_space<vmem>>, vector<1x64xf32>
    %add3A_394 = vector.broadcast %get3A_393 : vector<1x64xf32> to vector<128x64xf32>
    %add3A_395 = arith.addf %dot_general3A_390, %add3A_394 : vector<128x64xf32>
    %max3A_396 = arith.constant 0.000000e+00 : f32
    %max3A_397 = vector.broadcast %max3A_396 : f32 to vector<128x64xf32>
    %max3A_398 = arith.maximumf %add3A_395, %max3A_397 : vector<128x64xf32>
    %get3A_399 = arith.constant 0 : index
    %get3A_400 = arith.constant 0 : index
    %get3A_401 = vector.load %arg22[%get3A_399, %get3A_400] : memref<64x3xf32, #tpu.memory_space<vmem>>, vector<64x3xf32>
    %dot_general3A_402 = arith.constant dense<0.000000e+00> : vector<128x3xf32>
    %dot_general3A_403 = tpu.matmul %max3A_398, %get3A_401, %dot_general3A_402 {dimension_numbers = #tpu.dot_dimension_numbers<[1], [0], [0], [1], [0, 0, 1, 1], [], []>, transpose_lhs_hint = false} : vector<128x64xf32>, vector<64x3xf32>, vector<128x3xf32> -> vector<128x3xf32>
    %get3A_404 = arith.constant 0 : index
    %get3A_405 = arith.constant 0 : index
    %get3A_406 = vector.load %arg23[%get3A_404, %get3A_405] : memref<1x3xf32, #tpu.memory_space<vmem>>, vector<1x3xf32>
    %add3A_407 = vector.broadcast %get3A_406 : vector<1x3xf32> to vector<128x3xf32>
    %add3A_408 = arith.addf %dot_general3A_403, %add3A_407 : vector<128x3xf32>
    %swap3A = arith.constant 0 : index
    %swap3A_409 = arith.constant 0 : index
    %swap3A_410 = vector.load %arg46[%swap3A, %swap3A_409] : memref<128x3xf32, #tpu.memory_space<vmem>>, vector<128x3xf32>
    tpu.vector_store %arg46[%swap3A, %swap3A_409], %add3A_408 {strides = array<i32>} : memref<128x3xf32, #tpu.memory_space<vmem>>, vector<128x3xf32>,
    %get3A_411 = arith.constant 0 : index
    %get3A_412 = arith.constant 0 : index
    %get3A_413 = vector.load %arg24[%get3A_411, %get3A_412] : memref<128x128xf32, #tpu.memory_space<vmem>>, vector<128x128xf32>
    %dot_general3A_414 = arith.constant dense<0.000000e+00> : vector<128x128xf32>
    %dot_general3A_415 = tpu.matmul %add3A_385, %get3A_413, %dot_general3A_414 {dimension_numbers = #tpu.dot_dimension_numbers<[1], [0], [0], [1], [0, 0, 1, 1], [], []>, transpose_lhs_hint = false} : vector<128x128xf32>, vector<128x128xf32>, vector<128x128xf32> -> vector<128x128xf32>
    %get3A_416 = arith.constant 0 : index
    %get3A_417 = arith.constant 0 : index
    %get3A_418 = vector.load %arg25[%get3A_416, %get3A_417] : memref<1x128xf32, #tpu.memory_space<vmem>>, vector<1x128xf32>
    %add3A_419 = vector.broadcast %get3A_418 : vector<1x128xf32> to vector<128x128xf32>
    %add3A_420 = arith.addf %dot_general3A_415, %add3A_419 : vector<128x128xf32>
    %max3A_421 = arith.constant 0.000000e+00 : f32
    %max3A_422 = vector.broadcast %max3A_421 : f32 to vector<128x128xf32>
    %max3A_423 = arith.maximumf %add3A_420, %max3A_422 : vector<128x128xf32>
    %get3A_424 = arith.constant 0 : index
    %get3A_425 = arith.constant 0 : index
    %get3A_426 = vector.load %arg26[%get3A_424, %get3A_425] : memref<128x32xf32, #tpu.memory_space<vmem>>, vector<128x32xf32>
    %dot_general3A_427 = arith.constant dense<0.000000e+00> : vector<128x32xf32>
    %dot_general3A_428 = tpu.matmul %max3A_423, %get3A_426, %dot_general3A_427 {dimension_numbers = #tpu.dot_dimension_numbers<[1], [0], [0], [1], [0, 0, 1, 1], [], []>, transpose_lhs_hint = false} : vector<128x128xf32>, vector<128x32xf32>, vector<128x32xf32> -> vector<128x32xf32>
    %get3A_429 = arith.constant 0 : index
    %get3A_430 = arith.constant 0 : index
    %get3A_431 = vector.load %arg27[%get3A_429, %get3A_430] : memref<1x32xf32, #tpu.memory_space<vmem>>, vector<1x32xf32>
    %add3A_432 = vector.broadcast %get3A_431 : vector<1x32xf32> to vector<128x32xf32>
    %add3A_433 = arith.addf %dot_general3A_428, %add3A_432 : vector<128x32xf32>
    %swap3A_434 = arith.constant 0 : index
    %swap3A_435 = arith.constant 0 : index
    %swap3A_436 = vector.load %arg47[%swap3A_434, %swap3A_435] : memref<128x32xf32, #tpu.memory_space<vmem>>, vector<128x32xf32>
    tpu.vector_store %arg47[%swap3A_434, %swap3A_435], %add3A_433 {strides = array<i32>} : memref<128x32xf32, #tpu.memory_space<vmem>>, vector<128x32xf32>,
    %get3A_437 = arith.constant 0 : index
    %get3A_438 = arith.constant 0 : index
    %get3A_439 = vector.load %arg28[%get3A_437, %get3A_438] : memref<128x64xf32, #tpu.memory_space<vmem>>, vector<128x64xf32>
    %dot_general3A_440 = arith.constant dense<0.000000e+00> : vector<128x64xf32>
    %dot_general3A_441 = tpu.matmul %add3A_385, %get3A_439, %dot_general3A_440 {dimension_numbers = #tpu.dot_dimension_numbers<[1], [0], [0], [1], [0, 0, 1, 1], [], []>, transpose_lhs_hint = false} : vector<128x128xf32>, vector<128x64xf32>, vector<128x64xf32> -> vector<128x64xf32>
    %get3A_442 = arith.constant 0 : index
    %get3A_443 = arith.constant 0 : index
    %get3A_444 = vector.load %arg29[%get3A_442, %get3A_443] : memref<1x64xf32, #tpu.memory_space<vmem>>, vector<1x64xf32>
    %add3A_445 = vector.broadcast %get3A_444 : vector<1x64xf32> to vector<128x64xf32>
    %add3A_446 = arith.addf %dot_general3A_441, %add3A_445 : vector<128x64xf32>
    %max3A_447 = arith.constant 0.000000e+00 : f32
    %max3A_448 = vector.broadcast %max3A_447 : f32 to vector<128x64xf32>
    %max3A_449 = arith.maximumf %add3A_446, %max3A_448 : vector<128x64xf32>
    %get3A_450 = arith.constant 0 : index
    %get3A_451 = arith.constant 0 : index
    %get3A_452 = vector.load %arg30[%get3A_450, %get3A_451] : memref<64x3xf32, #tpu.memory_space<vmem>>, vector<64x3xf32>
    %dot_general3A_453 = arith.constant dense<0.000000e+00> : vector<128x3xf32>
    %dot_general3A_454 = tpu.matmul %max3A_449, %get3A_452, %dot_general3A_453 {dimension_numbers = #tpu.dot_dimension_numbers<[1], [0], [0], [1], [0, 0, 1, 1], [], []>, transpose_lhs_hint = false} : vector<128x64xf32>, vector<64x3xf32>, vector<128x3xf32> -> vector<128x3xf32>
    %get3A_455 = arith.constant 0 : index
    %get3A_456 = arith.constant 0 : index
    %get3A_457 = vector.load %arg31[%get3A_455, %get3A_456] : memref<1x3xf32, #tpu.memory_space<vmem>>, vector<1x3xf32>
    %add3A_458 = vector.broadcast %get3A_457 : vector<1x3xf32> to vector<128x3xf32>
    %add3A_459 = arith.addf %dot_general3A_454, %add3A_458 : vector<128x3xf32>
    %swap3A_460 = arith.constant 0 : index
    %swap3A_461 = arith.constant 0 : index
    %swap3A_462 = vector.load %arg48[%swap3A_460, %swap3A_461] : memref<128x3xf32, #tpu.memory_space<vmem>>, vector<128x3xf32>
    tpu.vector_store %arg48[%swap3A_460, %swap3A_461], %add3A_459 {strides = array<i32>} : memref<128x3xf32, #tpu.memory_space<vmem>>, vector<128x3xf32>,
    %get3A_463 = arith.constant 0 : index
    %get3A_464 = arith.constant 0 : index
    %get3A_465 = vector.load %arg32[%get3A_463, %get3A_464] : memref<128x32xf32, #tpu.memory_space<vmem>>, vector<128x32xf32>
    %dot_general3A_466 = arith.constant dense<0.000000e+00> : vector<128x32xf32>
    %dot_general3A_467 = tpu.matmul %add3A_385, %get3A_465, %dot_general3A_466 {dimension_numbers = #tpu.dot_dimension_numbers<[1], [0], [0], [1], [0, 0, 1, 1], [], []>, transpose_lhs_hint = false} : vector<128x128xf32>, vector<128x32xf32>, vector<128x32xf32> -> vector<128x32xf32>
    %get3A_468 = arith.constant 0 : index
    %get3A_469 = arith.constant 0 : index
    %get3A_470 = vector.load %arg33[%get3A_468, %get3A_469] : memref<1x32xf32, #tpu.memory_space<vmem>>, vector<1x32xf32>
    %add3A_471 = vector.broadcast %get3A_470 : vector<1x32xf32> to vector<128x32xf32>
    %add3A_472 = arith.addf %dot_general3A_467, %add3A_471 : vector<128x32xf32>
    %max3A_473 = arith.constant 0.000000e+00 : f32
    %max3A_474 = vector.broadcast %max3A_473 : f32 to vector<128x32xf32>
    %max3A_475 = arith.maximumf %add3A_472, %max3A_474 : vector<128x32xf32>
    %get3A_476 = arith.constant 0 : index
    %get3A_477 = arith.constant 0 : index
    %get3A_478 = vector.load %arg34[%get3A_476, %get3A_477] : memref<32x1xf32, #tpu.memory_space<vmem>>, vector<32x1xf32>
    %dot_general3A_479 = arith.constant dense<0.000000e+00> : vector<128x1xf32>
    %dot_general3A_480 = tpu.matmul %max3A_475, %get3A_478, %dot_general3A_479 {dimension_numbers = #tpu.dot_dimension_numbers<[1], [0], [0], [1], [0, 0, 1, 1], [], []>, transpose_lhs_hint = false} : vector<128x32xf32>, vector<32x1xf32>, vector<128x1xf32> -> vector<128x1xf32>
    %get3A_481 = arith.constant 0 : index
    %get3A_482 = arith.constant 0 : index
    %get3A_483 = vector.load %arg35[%get3A_481, %get3A_482] : memref<1x1xf32, #tpu.memory_space<vmem>>, vector<1x1xf32>
    %add3A_484 = vector.broadcast %get3A_483 : vector<1x1xf32> to vector<128x1xf32>
    %add3A_485 = arith.addf %dot_general3A_480, %add3A_484 : vector<128x1xf32>
    %swap3A_486 = arith.constant 0 : index
    %swap3A_487 = arith.constant 0 : index
    %swap3A_488 = vector.load %arg49[%swap3A_486, %swap3A_487] : memref<128x1xf32, #tpu.memory_space<vmem>>, vector<128x1xf32>
    tpu.vector_store %arg49[%swap3A_486, %swap3A_487], %add3A_485 {strides = array<i32>} : memref<128x1xf32, #tpu.memory_space<vmem>>, vector<128x1xf32>,
    %dot_general3A_489 = arith.constant dense<0.000000e+00> : vector<4096x128xf32>
    %dot_general3A_490 = tpu.matmul %select_n3A, %add3A_385, %dot_general3A_489 {dimension_numbers = #tpu.dot_dimension_numbers<[0], [0], [1], [1], [0, 1, 1, 1], [], []>, transpose_lhs_hint = false} : vector<128x4096xf32>, vector<128x128xf32>, vector<4096x128xf32> -> vector<4096x128xf32>
    %dot_general3A_491 = arith.constant dense<0.000000e+00> : vector<4096x128xf32>
    %dot_general3A_492 = tpu.matmul %select_n3A_24, %add3A_385, %dot_general3A_491 {dimension_numbers = #tpu.dot_dimension_numbers<[0], [0], [1], [1], [0, 1, 1, 1], [], []>, transpose_lhs_hint = false} : vector<128x4096xf32>, vector<128x128xf32>, vector<4096x128xf32> -> vector<4096x128xf32>
    %concatenate3A_493 = tpu.concatenate %dot_general3A_490, %dot_general3A_492 in 1 : vector<4096x128xf32>, vector<4096x128xf32> -> vector<4096x256xf32>
    %get3A_494 = arith.constant 0 : index
    %get3A_495 = arith.constant 0 : index
    %get3A_496 = vector.load %arg36[%get3A_494, %get3A_495] : memref<256x128xf32, #tpu.memory_space<vmem>>, vector<256x128xf32>
    %dot_general3A_497 = arith.constant dense<0.000000e+00> : vector<4096x128xf32>
    %dot_general3A_498 = tpu.matmul %concatenate3A_493, %get3A_496, %dot_general3A_497 {dimension_numbers = #tpu.dot_dimension_numbers<[1], [0], [0], [1], [0, 0, 1, 1], [], []>, transpose_lhs_hint = false} : vector<4096x256xf32>, vector<256x128xf32>, vector<4096x128xf32> -> vector<4096x128xf32>
    %get3A_499 = arith.constant 0 : index
    %get3A_500 = arith.constant 0 : index
    %get3A_501 = vector.load %arg37[%get3A_499, %get3A_500] : memref<1x128xf32, #tpu.memory_space<vmem>>, vector<1x128xf32>
    %add3A_502 = vector.broadcast %get3A_501 : vector<1x128xf32> to vector<4096x128xf32>
    %add3A_503 = arith.addf %dot_general3A_498, %add3A_502 : vector<4096x128xf32>
    %max3A_504 = arith.constant 0.000000e+00 : f32
    %max3A_505 = vector.broadcast %max3A_504 : f32 to vector<4096x128xf32>
    %max3A_506 = arith.maximumf %add3A_503, %max3A_505 : vector<4096x128xf32>
    %get3A_507 = arith.constant 0 : index
    %get3A_508 = arith.constant 0 : index
    %get3A_509 = vector.load %arg38[%get3A_507, %get3A_508] : memref<128x4xf32, #tpu.memory_space<vmem>>, vector<128x4xf32>
    %dot_general3A_510 = arith.constant dense<0.000000e+00> : vector<4096x4xf32>
    %dot_general3A_511 = tpu.matmul %max3A_506, %get3A_509, %dot_general3A_510 {dimension_numbers = #tpu.dot_dimension_numbers<[1], [0], [0], [1], [0, 0, 1, 1], [], []>, transpose_lhs_hint = false} : vector<4096x128xf32>, vector<128x4xf32>, vector<4096x4xf32> -> vector<4096x4xf32>
    %get3A_512 = arith.constant 0 : index
    %get3A_513 = arith.constant 0 : index
    %get3A_514 = vector.load %arg39[%get3A_512, %get3A_513] : memref<1x4xf32, #tpu.memory_space<vmem>>, vector<1x4xf32>
    %add3A_515 = vector.broadcast %get3A_514 : vector<1x4xf32> to vector<4096x4xf32>
    %add3A_516 = arith.addf %dot_general3A_511, %add3A_515 : vector<4096x4xf32>
    %swap3A_517 = arith.constant 0 : index
    %swap3A_518 = arith.constant 0 : index
    %swap3A_519 = vector.load %arg50[%swap3A_517, %swap3A_518] : memref<4096x4xf32, #tpu.memory_space<vmem>>, vector<4096x4xf32>
    tpu.vector_store %arg50[%swap3A_517, %swap3A_518], %add3A_516 {strides = array<i32>} : memref<4096x4xf32, #tpu.memory_space<vmem>>, vector<4096x4xf32>,
    %get3A_520 = arith.constant 0 : index
    %get3A_521 = arith.constant 0 : index
    %get3A_522 = vector.load %arg40[%get3A_520, %get3A_521] : memref<384x128xf32, #tpu.memory_space<vmem>>, vector<384x128xf32>
    %get3A_523 = arith.constant 0 : index
    %get3A_524 = arith.constant 0 : index
    %get3A_525 = vector.load %arg44[%get3A_523, %get3A_524] : memref<2x64xf32, #tpu.memory_space<vmem>>, vector<2x64xf32>
    %convert_element_type3A = arith.truncf %get3A_525 : vector<2x64xf32> to vector<2x64xbf16>
    %convert_element_type3A_526 = arith.extf %convert_element_type3A : vector<2x64xbf16> to vector<2x64xf32>
    %get3A_527 = arith.constant 0 : index
    %get3A_528 = arith.constant 0 : index
    %get3A_529 = vector.load %arg45[%get3A_527, %get3A_528] : memref<1x2xf32, #tpu.memory_space<vmem>>, vector<1x2xf32>
    %slice3A = vector.extract_strided_slice %add3A_385 {offsets = [0, 0], sizes = [64, 128], strides = [1, 1]} : vector<128x128xf32> to vector<64x128xf32>
    %broadcast_in_dim3A_530 = vector.shape_cast %slice3A : vector<64x128xf32> to vector<64x1x128xf32>
    %broadcast_in_dim3A_531 = vector.shape_cast %broadcast_in_dim3A_530 : vector<64x1x128xf32> to vector<64x1x128xf32>
    %broadcast_in_dim3A_532 = vector.broadcast %broadcast_in_dim3A_531 : vector<64x1x128xf32> to vector<64x128x128xf32>
    %reshape3A = vector.shape_cast %broadcast_in_dim3A_532 : vector<64x128x128xf32> to vector<8192x128xf32>
    %broadcast_in_dim3A_533 = vector.shape_cast %add3A_385 : vector<128x128xf32> to vector<1x128x128xf32>
    %broadcast_in_dim3A_534 = vector.shape_cast %broadcast_in_dim3A_533 : vector<1x128x128xf32> to vector<1x128x128xf32>
    %broadcast_in_dim3A_535 = vector.broadcast %broadcast_in_dim3A_534 : vector<1x128x128xf32> to vector<64x128x128xf32>
    %reshape3A_536 = vector.shape_cast %broadcast_in_dim3A_535 : vector<64x128x128xf32> to vector<8192x128xf32>
    %mul3A_537 = arith.mulf %reshape3A, %reshape3A_536 : vector<8192x128xf32>
    %concatenate3A_538 = tpu.concatenate %reshape3A, %reshape3A_536, %mul3A_537 in 1 : vector<8192x128xf32>, vector<8192x128xf32>, vector<8192x128xf32> -> vector<8192x384xf32>
    %dot_general3A_539 = arith.constant dense<0.000000e+00> : vector<8192x128xf32>
    %dot_general3A_540 = tpu.matmul %concatenate3A_538, %get3A_522, %dot_general3A_539 {dimension_numbers = #tpu.dot_dimension_numbers<[1], [0], [0], [1], [0, 0, 1, 1], [], []>, transpose_lhs_hint = false} : vector<8192x384xf32>, vector<384x128xf32>, vector<8192x128xf32> -> vector<8192x128xf32>
    %get3A_541 = arith.constant 0 : index
    %get3A_542 = arith.constant 0 : index
    %get3A_543 = vector.load %arg41[%get3A_541, %get3A_542] : memref<1x128xf32, #tpu.memory_space<vmem>>, vector<1x128xf32>
    %add3A_544 = vector.broadcast %get3A_543 : vector<1x128xf32> to vector<8192x128xf32>
    %add3A_545 = arith.addf %dot_general3A_540, %add3A_544 : vector<8192x128xf32>
    %max3A_546 = arith.constant 0.000000e+00 : f32
    %max3A_547 = vector.broadcast %max3A_546 : f32 to vector<8192x128xf32>
    %max3A_548 = arith.maximumf %add3A_545, %max3A_547 : vector<8192x128xf32>
    %get3A_549 = arith.constant 0 : index
    %get3A_550 = arith.constant 0 : index
    %get3A_551 = vector.load %arg42[%get3A_549, %get3A_550] : memref<128x64xf32, #tpu.memory_space<vmem>>, vector<128x64xf32>
    %dot_general3A_552 = arith.constant dense<0.000000e+00> : vector<8192x64xf32>
    %dot_general3A_553 = tpu.matmul %max3A_548, %get3A_551, %dot_general3A_552 {dimension_numbers = #tpu.dot_dimension_numbers<[1], [0], [0], [1], [0, 0, 1, 1], [], []>, transpose_lhs_hint = false} : vector<8192x128xf32>, vector<128x64xf32>, vector<8192x64xf32> -> vector<8192x64xf32>
    %get3A_554 = arith.constant 0 : index
    %get3A_555 = arith.constant 0 : index
    %get3A_556 = vector.load %arg43[%get3A_554, %get3A_555] : memref<1x64xf32, #tpu.memory_space<vmem>>, vector<1x64xf32>
    %add3A_557 = vector.broadcast %get3A_556 : vector<1x64xf32> to vector<8192x64xf32>
    %add3A_558 = arith.addf %dot_general3A_553, %add3A_557 : vector<8192x64xf32>
    %max3A_559 = arith.constant 0.000000e+00 : f32
    %max3A_560 = vector.broadcast %max3A_559 : f32 to vector<8192x64xf32>
    %max3A_561 = arith.maximumf %add3A_558, %max3A_560 : vector<8192x64xf32>
    %convert_element_type3A_562 = arith.truncf %max3A_561 : vector<8192x64xf32> to vector<8192x64xbf16>
    %convert_element_type3A_563 = arith.extf %convert_element_type3A_562 : vector<8192x64xbf16> to vector<8192x64xf32>
    %reshape3A_564 = vector.shape_cast %convert_element_type3A_563 : vector<8192x64xf32> to vector<64x128x64xf32>
    %slice3A_565 = vector.extract_strided_slice %convert_element_type3A_526 {offsets = [0, 0], sizes = [1, 64], strides = [1, 1]} : vector<2x64xf32> to vector<1x64xf32>
    %squeeze3A = vector.shape_cast %slice3A_565 : vector<1x64xf32> to vector<64xf32>
    %broadcast_in_dim3A_566 = vector.shape_cast %squeeze3A : vector<64xf32> to vector<1x1x64xf32>
    %mul3A_567 = vector.broadcast %broadcast_in_dim3A_566 : vector<1x1x64xf32> to vector<64x128x64xf32>
    %mul3A_568 = arith.mulf %reshape3A_564, %mul3A_567 : vector<64x128x64xf32>
    %reduce_sum3A_569 = arith.constant dense<0.000000e+00> : vector<64x128xf32>
    %reduce_sum3A_570 = vector.multi_reduction <add>, %mul3A_568, %reduce_sum3A_569 [2] : vector<64x128x64xf32> to vector<64x128xf32>
    %slice3A_571 = vector.extract_strided_slice %get3A_529 {offsets = [0, 0], sizes = [1, 1], strides = [1, 1]} : vector<1x2xf32> to vector<1x1xf32>
    %squeeze3A_572 = vector.extract %slice3A_571[0, 0] : f32 from vector<1x1xf32>
    %add3A_573 = vector.broadcast %squeeze3A_572 : f32 to vector<64x128xf32>
    %add3A_574 = arith.addf %reduce_sum3A_570, %add3A_573 : vector<64x128xf32>
    %swap3A_575 = arith.constant 0 : index
    %swap3A_576 = arith.constant 0 : index
    %swap3A_577 = vector.load %arg51[%swap3A_575, %swap3A_576] : memref<128x128xf32, #tpu.memory_space<vmem>>, vector<64x128xf32>
    tpu.vector_store %arg51[%swap3A_575, %swap3A_576], %add3A_574 {strides = array<i32>} : memref<128x128xf32, #tpu.memory_space<vmem>>, vector<64x128xf32>,
    %slice3A_578 = vector.extract_strided_slice %convert_element_type3A_526 {offsets = [1, 0], sizes = [1, 64], strides = [1, 1]} : vector<2x64xf32> to vector<1x64xf32>
    %squeeze3A_579 = vector.shape_cast %slice3A_578 : vector<1x64xf32> to vector<64xf32>
    %broadcast_in_dim3A_580 = vector.shape_cast %squeeze3A_579 : vector<64xf32> to vector<1x1x64xf32>
    %mul3A_581 = vector.broadcast %broadcast_in_dim3A_580 : vector<1x1x64xf32> to vector<64x128x64xf32>
    %mul3A_582 = arith.mulf %reshape3A_564, %mul3A_581 : vector<64x128x64xf32>
    %reduce_sum3A_583 = arith.constant dense<0.000000e+00> : vector<64x128xf32>
    %reduce_sum3A_584 = vector.multi_reduction <add>, %mul3A_582, %reduce_sum3A_583 [2] : vector<64x128x64xf32> to vector<64x128xf32>
    %slice3A_585 = vector.extract_strided_slice %get3A_529 {offsets = [0, 1], sizes = [1, 1], strides = [1, 1]} : vector<1x2xf32> to vector<1x1xf32>
    %squeeze3A_586 = vector.extract %slice3A_585[0, 0] : f32 from vector<1x1xf32>
    %add3A_587 = vector.broadcast %squeeze3A_586 : f32 to vector<64x128xf32>
    %add3A_588 = arith.addf %reduce_sum3A_584, %add3A_587 : vector<64x128xf32>
    %swap3A_589 = arith.constant 0 : index
    %swap3A_590 = arith.constant 0 : index
    %swap3A_591 = vector.load %arg52[%swap3A_589, %swap3A_590] : memref<128x128xf32, #tpu.memory_space<vmem>>, vector<64x128xf32>
    tpu.vector_store %arg52[%swap3A_589, %swap3A_590], %add3A_588 {strides = array<i32>} : memref<128x128xf32, #tpu.memory_space<vmem>>, vector<64x128xf32>,
    %slice3A_592 = vector.extract_strided_slice %add3A_385 {offsets = [64, 0], sizes = [64, 128], strides = [1, 1]} : vector<128x128xf32> to vector<64x128xf32>
    %broadcast_in_dim3A_593 = vector.shape_cast %slice3A_592 : vector<64x128xf32> to vector<64x1x128xf32>
    %broadcast_in_dim3A_594 = vector.shape_cast %broadcast_in_dim3A_593 : vector<64x1x128xf32> to vector<64x1x128xf32>
    %broadcast_in_dim3A_595 = vector.broadcast %broadcast_in_dim3A_594 : vector<64x1x128xf32> to vector<64x128x128xf32>
    %reshape3A_596 = vector.shape_cast %broadcast_in_dim3A_595 : vector<64x128x128xf32> to vector<8192x128xf32>
    %broadcast_in_dim3A_597 = vector.shape_cast %add3A_385 : vector<128x128xf32> to vector<1x128x128xf32>
    %broadcast_in_dim3A_598 = vector.shape_cast %broadcast_in_dim3A_597 : vector<1x128x128xf32> to vector<1x128x128xf32>
    %broadcast_in_dim3A_599 = vector.broadcast %broadcast_in_dim3A_598 : vector<1x128x128xf32> to vector<64x128x128xf32>
    %reshape3A_600 = vector.shape_cast %broadcast_in_dim3A_599 : vector<64x128x128xf32> to vector<8192x128xf32>
    %mul3A_601 = arith.mulf %reshape3A_596, %reshape3A_600 : vector<8192x128xf32>
    %concatenate3A_602 = tpu.concatenate %reshape3A_596, %reshape3A_600, %mul3A_601 in 1 : vector<8192x128xf32>, vector<8192x128xf32>, vector<8192x128xf32> -> vector<8192x384xf32>
    %dot_general3A_603 = arith.constant dense<0.000000e+00> : vector<8192x128xf32>
    %dot_general3A_604 = tpu.matmul %concatenate3A_602, %get3A_522, %dot_general3A_603 {dimension_numbers = #tpu.dot_dimension_numbers<[1], [0], [0], [1], [0, 0, 1, 1], [], []>, transpose_lhs_hint = false} : vector<8192x384xf32>, vector<384x128xf32>, vector<8192x128xf32> -> vector<8192x128xf32>
    %get3A_605 = arith.constant 0 : index
    %get3A_606 = arith.constant 0 : index
    %get3A_607 = vector.load %arg41[%get3A_605, %get3A_606] : memref<1x128xf32, #tpu.memory_space<vmem>>, vector<1x128xf32>
    %add3A_608 = vector.broadcast %get3A_607 : vector<1x128xf32> to vector<8192x128xf32>
    %add3A_609 = arith.addf %dot_general3A_604, %add3A_608 : vector<8192x128xf32>
    %max3A_610 = arith.constant 0.000000e+00 : f32
    %max3A_611 = vector.broadcast %max3A_610 : f32 to vector<8192x128xf32>
    %max3A_612 = arith.maximumf %add3A_609, %max3A_611 : vector<8192x128xf32>
    %get3A_613 = arith.constant 0 : index
    %get3A_614 = arith.constant 0 : index
    %get3A_615 = vector.load %arg42[%get3A_613, %get3A_614] : memref<128x64xf32, #tpu.memory_space<vmem>>, vector<128x64xf32>
    %dot_general3A_616 = arith.constant dense<0.000000e+00> : vector<8192x64xf32>
    %dot_general3A_617 = tpu.matmul %max3A_612, %get3A_615, %dot_general3A_616 {dimension_numbers = #tpu.dot_dimension_numbers<[1], [0], [0], [1], [0, 0, 1, 1], [], []>, transpose_lhs_hint = false} : vector<8192x128xf32>, vector<128x64xf32>, vector<8192x64xf32> -> vector<8192x64xf32>
    %get3A_618 = arith.constant 0 : index
    %get3A_619 = arith.constant 0 : index
    %get3A_620 = vector.load %arg43[%get3A_618, %get3A_619] : memref<1x64xf32, #tpu.memory_space<vmem>>, vector<1x64xf32>
    %add3A_621 = vector.broadcast %get3A_620 : vector<1x64xf32> to vector<8192x64xf32>
    %add3A_622 = arith.addf %dot_general3A_617, %add3A_621 : vector<8192x64xf32>
    %max3A_623 = arith.constant 0.000000e+00 : f32
    %max3A_624 = vector.broadcast %max3A_623 : f32 to vector<8192x64xf32>
    %max3A_625 = arith.maximumf %add3A_622, %max3A_624 : vector<8192x64xf32>
    %convert_element_type3A_626 = arith.truncf %max3A_625 : vector<8192x64xf32> to vector<8192x64xbf16>
    %convert_element_type3A_627 = arith.extf %convert_element_type3A_626 : vector<8192x64xbf16> to vector<8192x64xf32>
    %reshape3A_628 = vector.shape_cast %convert_element_type3A_627 : vector<8192x64xf32> to vector<64x128x64xf32>
    %slice3A_629 = vector.extract_strided_slice %convert_element_type3A_526 {offsets = [0, 0], sizes = [1, 64], strides = [1, 1]} : vector<2x64xf32> to vector<1x64xf32>
    %squeeze3A_630 = vector.shape_cast %slice3A_629 : vector<1x64xf32> to vector<64xf32>
    %broadcast_in_dim3A_631 = vector.shape_cast %squeeze3A_630 : vector<64xf32> to vector<1x1x64xf32>
    %mul3A_632 = vector.broadcast %broadcast_in_dim3A_631 : vector<1x1x64xf32> to vector<64x128x64xf32>
    %mul3A_633 = arith.mulf %reshape3A_628, %mul3A_632 : vector<64x128x64xf32>
    %reduce_sum3A_634 = arith.constant dense<0.000000e+00> : vector<64x128xf32>
    %reduce_sum3A_635 = vector.multi_reduction <add>, %mul3A_633, %reduce_sum3A_634 [2] : vector<64x128x64xf32> to vector<64x128xf32>
    %slice3A_636 = vector.extract_strided_slice %get3A_529 {offsets = [0, 0], sizes = [1, 1], strides = [1, 1]} : vector<1x2xf32> to vector<1x1xf32>
    %squeeze3A_637 = vector.extract %slice3A_636[0, 0] : f32 from vector<1x1xf32>
    %add3A_638 = vector.broadcast %squeeze3A_637 : f32 to vector<64x128xf32>
    %add3A_639 = arith.addf %reduce_sum3A_635, %add3A_638 : vector<64x128xf32>
    %swap3A_640 = arith.constant 64 : index
    %swap3A_641 = arith.constant 0 : index
    %swap3A_642 = vector.load %arg51[%swap3A_640, %swap3A_641] : memref<128x128xf32, #tpu.memory_space<vmem>>, vector<64x128xf32>
    tpu.vector_store %arg51[%swap3A_640, %swap3A_641], %add3A_639 {strides = array<i32>} : memref<128x128xf32, #tpu.memory_space<vmem>>, vector<64x128xf32>,
    %slice3A_643 = vector.extract_strided_slice %convert_element_type3A_526 {offsets = [1, 0], sizes = [1, 64], strides = [1, 1]} : vector<2x64xf32> to vector<1x64xf32>
    %squeeze3A_644 = vector.shape_cast %slice3A_643 : vector<1x64xf32> to vector<64xf32>
    %broadcast_in_dim3A_645 = vector.shape_cast %squeeze3A_644 : vector<64xf32> to vector<1x1x64xf32>
    %mul3A_646 = vector.broadcast %broadcast_in_dim3A_645 : vector<1x1x64xf32> to vector<64x128x64xf32>
    %mul3A_647 = arith.mulf %reshape3A_628, %mul3A_646 : vector<64x128x64xf32>
    %reduce_sum3A_648 = arith.constant dense<0.000000e+00> : vector<64x128xf32>
    %reduce_sum3A_649 = vector.multi_reduction <add>, %mul3A_647, %reduce_sum3A_648 [2] : vector<64x128x64xf32> to vector<64x128xf32>
    %slice3A_650 = vector.extract_strided_slice %get3A_529 {offsets = [0, 1], sizes = [1, 1], strides = [1, 1]} : vector<1x2xf32> to vector<1x1xf32>
    %squeeze3A_651 = vector.extract %slice3A_650[0, 0] : f32 from vector<1x1xf32>
    %add3A_652 = vector.broadcast %squeeze3A_651 : f32 to vector<64x128xf32>
    %add3A_653 = arith.addf %reduce_sum3A_649, %add3A_652 : vector<64x128xf32>
    %swap3A_654 = arith.constant 64 : index
    %swap3A_655 = arith.constant 0 : index
    %swap3A_656 = vector.load %arg52[%swap3A_654, %swap3A_655] : memref<128x128xf32, #tpu.memory_space<vmem>>, vector<64x128xf32>
    tpu.vector_store %arg52[%swap3A_654, %swap3A_655], %add3A_653 {strides = array<i32>} : memref<128x128xf32, #tpu.memory_space<vmem>>, vector<64x128xf32>,
    return
  }
  func.func @transform_0(%arg0: i32) -> (i32, i32, i32) {
    %c0_i32 = arith.constant 0 : i32
    %c0_i32_0 = arith.constant 0 : i32
    %c0_i32_1 = arith.constant 0 : i32
    return %arg0, %c0_i32, %c0_i32_0 : i32, i32, i32
  }
  func.func @transform_1(%arg0: i32) -> (i32, i32) {
    %c0_i32 = arith.constant 0 : i32
    %c0_i32_0 = arith.constant 0 : i32
    %c0_i32_1 = arith.constant 0 : i32
    return %c0_i32, %c0_i32_0 : i32, i32
  }
  func.func @transform_2(%arg0: i32) -> (i32, i32, i32) {
    %c0_i32 = arith.constant 0 : i32
    %c0_i32_0 = arith.constant 0 : i32
    %c0_i32_1 = arith.constant 0 : i32
    return %arg0, %c0_i32, %c0_i32_0 : i32, i32, i32
  }
  func.func @transform_3(%arg0: i32) -> (i32, i32, i32) {
    %c0_i32 = arith.constant 0 : i32
    %c0_i32_0 = arith.constant 0 : i32
    %c0_i32_1 = arith.constant 0 : i32
    return %arg0, %c0_i32, %c0_i32_0 : i32, i32, i32
  }
  func.func @transform_4(%arg0: i32) -> (i32, i32) {
    %c0_i32 = arith.constant 0 : i32
    %c0_i32_0 = arith.constant 0 : i32
    %c0_i32_1 = arith.constant 0 : i32
    return %c0_i32, %c0_i32_0 : i32, i32
  }
  func.func @transform_5(%arg0: i32) -> (i32, i32) {
    %c0_i32 = arith.constant 0 : i32
    %c0_i32_0 = arith.constant 0 : i32
    %c0_i32_1 = arith.constant 0 : i32
    return %c0_i32, %c0_i32_0 : i32, i32
  }
  func.func @transform_6(%arg0: i32) -> (i32, i32) {
    %c0_i32 = arith.constant 0 : i32
    %c0_i32_0 = arith.constant 0 : i32
    %c0_i32_1 = arith.constant 0 : i32
    return %c0_i32, %c0_i32_0 : i32, i32
  }
  func.func @transform_7(%arg0: i32) -> (i32, i32) {
    %c0_i32 = arith.constant 0 : i32
    %c0_i32_0 = arith.constant 0 : i32
    %c0_i32_1 = arith.constant 0 : i32
    return %c0_i32, %c0_i32_0 : i32, i32
  }
  func.func @transform_8(%arg0: i32) -> (i32, i32) {
    %c0_i32 = arith.constant 0 : i32
    %c0_i32_0 = arith.constant 0 : i32
    %c0_i32_1 = arith.constant 0 : i32
    return %c0_i32, %c0_i32_0 : i32, i32
  }
  func.func @transform_9(%arg0: i32) -> (i32, i32) {
    %c0_i32 = arith.constant 0 : i32
    %c0_i32_0 = arith.constant 0 : i32
    %c0_i32_1 = arith.constant 0 : i32
    return %c0_i32, %c0_i32_0 : i32, i32
  }
  func.func @transform_10(%arg0: i32) -> (i32, i32) {
    %c0_i32 = arith.constant 0 : i32
    %c0_i32_0 = arith.constant 0 : i32
    %c0_i32_1 = arith.constant 0 : i32
    return %c0_i32, %c0_i32_0 : i32, i32
  }
  func.func @transform_11(%arg0: i32) -> (i32, i32) {
    %c0_i32 = arith.constant 0 : i32
    %c0_i32_0 = arith.constant 0 : i32
    %c0_i32_1 = arith.constant 0 : i32
    return %c0_i32, %c0_i32_0 : i32, i32
  }
  func.func @transform_12(%arg0: i32) -> (i32, i32, i32) {
    %c0_i32 = arith.constant 0 : i32
    %c0_i32_0 = arith.constant 0 : i32
    %c0_i32_1 = arith.constant 0 : i32
    %c0_i32_2 = arith.constant 0 : i32
    return %c0_i32, %c0_i32_0, %c0_i32_1 : i32, i32, i32
  }
  func.func @transform_13(%arg0: i32) -> (i32, i32, i32) {
    %c0_i32 = arith.constant 0 : i32
    %c0_i32_0 = arith.constant 0 : i32
    %c0_i32_1 = arith.constant 0 : i32
    %c0_i32_2 = arith.constant 0 : i32
    return %c0_i32, %c0_i32_0, %c0_i32_1 : i32, i32, i32
  }
  func.func @transform_14(%arg0: i32) -> (i32, i32, i32) {
    %c0_i32 = arith.constant 0 : i32
    %c0_i32_0 = arith.constant 0 : i32
    %c0_i32_1 = arith.constant 0 : i32
    %c0_i32_2 = arith.constant 0 : i32
    return %c0_i32, %c0_i32_0, %c0_i32_1 : i32, i32, i32
  }
  func.func @transform_15(%arg0: i32) -> (i32, i32, i32) {
    %c0_i32 = arith.constant 0 : i32
    %c0_i32_0 = arith.constant 0 : i32
    %c0_i32_1 = arith.constant 0 : i32
    %c0_i32_2 = arith.constant 0 : i32
    return %c0_i32, %c0_i32_0, %c0_i32_1 : i32, i32, i32
  }
  func.func @transform_16(%arg0: i32) -> (i32, i32, i32) {
    %c0_i32 = arith.constant 0 : i32
    %c0_i32_0 = arith.constant 0 : i32
    %c0_i32_1 = arith.constant 0 : i32
    %c0_i32_2 = arith.constant 0 : i32
    return %c0_i32, %c0_i32_0, %c0_i32_1 : i32, i32, i32
  }
  func.func @transform_17(%arg0: i32) -> (i32, i32, i32) {
    %c0_i32 = arith.constant 0 : i32
    %c0_i32_0 = arith.constant 0 : i32
    %c0_i32_1 = arith.constant 0 : i32
    %c0_i32_2 = arith.constant 0 : i32
    return %c0_i32, %c0_i32_0, %c0_i32_1 : i32, i32, i32
  }
  func.func @transform_18(%arg0: i32) -> (i32, i32, i32) {
    %c0_i32 = arith.constant 0 : i32
    %c0_i32_0 = arith.constant 0 : i32
    %c0_i32_1 = arith.constant 0 : i32
    %c0_i32_2 = arith.constant 0 : i32
    return %c0_i32, %c0_i32_0, %c0_i32_1 : i32, i32, i32
  }
  func.func @transform_19(%arg0: i32) -> (i32, i32) {
    %c0_i32 = arith.constant 0 : i32
    %c0_i32_0 = arith.constant 0 : i32
    %c0_i32_1 = arith.constant 0 : i32
    return %c0_i32, %c0_i32_0 : i32, i32
  }
  func.func @transform_20(%arg0: i32) -> (i32, i32) {
    %c0_i32 = arith.constant 0 : i32
    %c0_i32_0 = arith.constant 0 : i32
    %c0_i32_1 = arith.constant 0 : i32
    return %c0_i32, %c0_i32_0 : i32, i32
  }
  func.func @transform_21(%arg0: i32) -> (i32, i32) {
    %c0_i32 = arith.constant 0 : i32
    %c0_i32_0 = arith.constant 0 : i32
    %c0_i32_1 = arith.constant 0 : i32
    return %c0_i32, %c0_i32_0 : i32, i32
  }
  func.func @transform_22(%arg0: i32) -> (i32, i32) {
    %c0_i32 = arith.constant 0 : i32
    %c0_i32_0 = arith.constant 0 : i32
    %c0_i32_1 = arith.constant 0 : i32
    return %c0_i32, %c0_i32_0 : i32, i32
  }
  func.func @transform_23(%arg0: i32) -> (i32, i32) {
    %c0_i32 = arith.constant 0 : i32
    %c0_i32_0 = arith.constant 0 : i32
    %c0_i32_1 = arith.constant 0 : i32
    return %c0_i32, %c0_i32_0 : i32, i32
  }
  func.func @transform_24(%arg0: i32) -> (i32, i32) {
    %c0_i32 = arith.constant 0 : i32
    %c0_i32_0 = arith.constant 0 : i32
    %c0_i32_1 = arith.constant 0 : i32
    return %c0_i32, %c0_i32_0 : i32, i32
  }
  func.func @transform_25(%arg0: i32) -> (i32, i32) {
    %c0_i32 = arith.constant 0 : i32
    %c0_i32_0 = arith.constant 0 : i32
    %c0_i32_1 = arith.constant 0 : i32
    return %c0_i32, %c0_i32_0 : i32, i32
  }
  func.func @transform_26(%arg0: i32) -> (i32, i32) {
    %c0_i32 = arith.constant 0 : i32
    %c0_i32_0 = arith.constant 0 : i32
    %c0_i32_1 = arith.constant 0 : i32
    return %c0_i32, %c0_i32_0 : i32, i32
  }
  func.func @transform_27(%arg0: i32) -> (i32, i32) {
    %c0_i32 = arith.constant 0 : i32
    %c0_i32_0 = arith.constant 0 : i32
    %c0_i32_1 = arith.constant 0 : i32
    return %c0_i32, %c0_i32_0 : i32, i32
  }
  func.func @transform_28(%arg0: i32) -> (i32, i32) {
    %c0_i32 = arith.constant 0 : i32
    %c0_i32_0 = arith.constant 0 : i32
    %c0_i32_1 = arith.constant 0 : i32
    return %c0_i32, %c0_i32_0 : i32, i32
  }
  func.func @transform_29(%arg0: i32) -> (i32, i32) {
    %c0_i32 = arith.constant 0 : i32
    %c0_i32_0 = arith.constant 0 : i32
    %c0_i32_1 = arith.constant 0 : i32
    return %c0_i32, %c0_i32_0 : i32, i32
  }
  func.func @transform_30(%arg0: i32) -> (i32, i32) {
    %c0_i32 = arith.constant 0 : i32
    %c0_i32_0 = arith.constant 0 : i32
    %c0_i32_1 = arith.constant 0 : i32
    return %c0_i32, %c0_i32_0 : i32, i32
  }
  func.func @transform_31(%arg0: i32) -> (i32, i32) {
    %c0_i32 = arith.constant 0 : i32
    %c0_i32_0 = arith.constant 0 : i32
    %c0_i32_1 = arith.constant 0 : i32
    return %c0_i32, %c0_i32_0 : i32, i32
  }
  func.func @transform_32(%arg0: i32) -> (i32, i32) {
    %c0_i32 = arith.constant 0 : i32
    %c0_i32_0 = arith.constant 0 : i32
    %c0_i32_1 = arith.constant 0 : i32
    return %c0_i32, %c0_i32_0 : i32, i32
  }
  func.func @transform_33(%arg0: i32) -> (i32, i32) {
    %c0_i32 = arith.constant 0 : i32
    %c0_i32_0 = arith.constant 0 : i32
    %c0_i32_1 = arith.constant 0 : i32
    return %c0_i32, %c0_i32_0 : i32, i32
  }
  func.func @transform_34(%arg0: i32) -> (i32, i32) {
    %c0_i32 = arith.constant 0 : i32
    %c0_i32_0 = arith.constant 0 : i32
    %c0_i32_1 = arith.constant 0 : i32
    return %c0_i32, %c0_i32_0 : i32, i32
  }
  func.func @transform_35(%arg0: i32) -> (i32, i32) {
    %c0_i32 = arith.constant 0 : i32
    %c0_i32_0 = arith.constant 0 : i32
    %c0_i32_1 = arith.constant 0 : i32
    return %c0_i32, %c0_i32_0 : i32, i32
  }
  func.func @transform_36(%arg0: i32) -> (i32, i32) {
    %c0_i32 = arith.constant 0 : i32
    %c0_i32_0 = arith.constant 0 : i32
    %c0_i32_1 = arith.constant 0 : i32
    return %c0_i32, %c0_i32_0 : i32, i32
  }
  func.func @transform_37(%arg0: i32) -> (i32, i32) {
    %c0_i32 = arith.constant 0 : i32
    %c0_i32_0 = arith.constant 0 : i32
    %c0_i32_1 = arith.constant 0 : i32
    return %c0_i32, %c0_i32_0 : i32, i32
  }
  func.func @transform_38(%arg0: i32) -> (i32, i32) {
    %c0_i32 = arith.constant 0 : i32
    %c0_i32_0 = arith.constant 0 : i32
    %c0_i32_1 = arith.constant 0 : i32
    return %c0_i32, %c0_i32_0 : i32, i32
  }
  func.func @transform_39(%arg0: i32) -> (i32, i32) {
    %c0_i32 = arith.constant 0 : i32
    %c0_i32_0 = arith.constant 0 : i32
    %c0_i32_1 = arith.constant 0 : i32
    return %c0_i32, %c0_i32_0 : i32, i32
  }
  func.func @transform_40(%arg0: i32) -> (i32, i32) {
    %c0_i32 = arith.constant 0 : i32
    %c0_i32_0 = arith.constant 0 : i32
    %c0_i32_1 = arith.constant 0 : i32
    return %c0_i32, %c0_i32_0 : i32, i32
  }
  func.func @transform_41(%arg0: i32) -> (i32, i32) {
    %c0_i32 = arith.constant 0 : i32
    %c0_i32_0 = arith.constant 0 : i32
    %c0_i32_1 = arith.constant 0 : i32
    return %c0_i32, %c0_i32_0 : i32, i32
  }
  func.func @transform_42(%arg0: i32) -> (i32, i32) {
    %c0_i32 = arith.constant 0 : i32
    %c0_i32_0 = arith.constant 0 : i32
    %c0_i32_1 = arith.constant 0 : i32
    return %c0_i32, %c0_i32_0 : i32, i32
  }
  func.func @transform_43(%arg0: i32) -> (i32, i32) {
    %c0_i32 = arith.constant 0 : i32
    %c0_i32_0 = arith.constant 0 : i32
    %c0_i32_1 = arith.constant 0 : i32
    return %c0_i32, %c0_i32_0 : i32, i32
  }
  func.func @transform_44(%arg0: i32) -> (i32, i32) {
    %c0_i32 = arith.constant 0 : i32
    %c0_i32_0 = arith.constant 0 : i32
    %c0_i32_1 = arith.constant 0 : i32
    return %c0_i32, %c0_i32_0 : i32, i32
  }
  func.func @transform_45(%arg0: i32) -> (i32, i32) {
    %c0_i32 = arith.constant 0 : i32
    %c0_i32_0 = arith.constant 0 : i32
    return %arg0, %c0_i32 : i32, i32
  }
  func.func @transform_46(%arg0: i32) -> (i32, i32) {
    %c0_i32 = arith.constant 0 : i32
    %c0_i32_0 = arith.constant 0 : i32
    return %arg0, %c0_i32 : i32, i32
  }
  func.func @transform_47(%arg0: i32) -> (i32, i32) {
    %c0_i32 = arith.constant 0 : i32
    %c0_i32_0 = arith.constant 0 : i32
    return %arg0, %c0_i32 : i32, i32
  }
  func.func @transform_48(%arg0: i32) -> (i32, i32) {
    %c0_i32 = arith.constant 0 : i32
    %c0_i32_0 = arith.constant 0 : i32
    return %arg0, %c0_i32 : i32, i32
  }
  func.func @transform_49(%arg0: i32) -> (i32, i32) {
    %c0_i32 = arith.constant 0 : i32
    %c0_i32_0 = arith.constant 0 : i32
    return %arg0, %c0_i32 : i32, i32
  }
  func.func @transform_50(%arg0: i32) -> (i32, i32) {
    %c0_i32 = arith.constant 0 : i32
    %c0_i32_0 = arith.constant 0 : i32
    return %arg0, %c0_i32 : i32, i32
  }
  func.func @transform_51(%arg0: i32) -> (i32, i32) {
    %c0_i32 = arith.constant 0 : i32
    %c0_i32_0 = arith.constant 0 : i32
    return %arg0, %c0_i32 : i32, i32
  }
}

</mosaic_0001>

<sc_bundles>
// kernel: kernel.4.cloned.1.call-start
scs
__scs_entry_jumppad:
0x0: {  	(pc) =	sbr.rel $0x88, $3  }
0x1: {  	(tag) =	ssettag $0x0;
	lr =	simm.s32 $0x1  }
0x2: {  	[smem:$0x3F5F] =	sst lr;
	_ =	strace $0xD0000000  }
0x3: {  	_ = 	snop  }
0x4: {  	_ = 	snop  }
0x5: {  	_ = 	snop  }
0x6: {  	_ = 	snop  }
0x7: {  	_ = 	snop  }
__scs_overlays_trampoline_lowered:
0x8: {  	[smem:$0x3F6E] =	sst s0  }
0x9: {  	[smem:$0x3F6F] =	sst s1  }
0xa: {  	[smem:$0x3F70] =	sst s2  }
0xb: {  	[smem:$0x3F71] =	sst s3  }
0xc: {  	[smem:$0x3F72] =	sst s4  }
0xd: {  	[smem:$0x3F73] =	sst s5  }
0xe: {  	[smem:$0x3F74] =	sst s6  }
0xf: {  	[smem:$0x3F75] =	sst s7  }
0x10: {  	[smem:$0x3F76] =	sst s8  }
0x11: {  	[smem:$0x3F77] =	sst s9;
	s0 =	simm.s32 @!p0 $0x0  }
0x12: {  	s1 =	sld [smem:$0x3F5D];
	s0 =	simm.s32 @p0 $0x1  }
0x13: {  	[smem:$0x3F78] =	sst s0;
	s0 =	simm.s32 @!p1 $0x0  }
0x14: {  	s2 =	sld [smem:$0x3F5C];
	s0 =	simm.s32 @p1 $0x1  }
0x15: {  	[smem:$0x3F79] =	sst s0;
	s0 =	simm.s32 @!p2 $0x0  }
0x16: {  	s3 =	sld [smem:$0x3FDB];
	s0 =	simm.s32 @p2 $0x1  }
0x17: {  	s4 =	simm.s32 $0x1BF5;
	[smem:$0x3F7B] =	sst s0  }
0x18: {  	s0 =	sld [smem:$0x3F5E];
	_ =	swait.ge [sflag:s4], $0x0  }
0x19: {  	s7 =	sld [smem:$0x3F5F]  }
0x1a: {  	s8 =	sadd.s32 $0xFFFFE003, lr  }
0x1b: {  	s9 =	sadd.s32 $0xFFFFFEF7, lr;
	s5 =	simm.s32 $0xFFFFFFFF;
	p2 =	slt.u32 s8, $0xFFFFF086  }
0x1c: {  	p1 =	slt.u32 s9, $0xF7A;
	s5 =	simm.s32 @!p2 $0x0  }
0x1d: {  	s5 =	simm.s32 @p1 $0x1;
	p0 =	seq.s32 s7, s2  }
0x1e: {  	s7 =	smul.u32 @!p0 $0xF7A, s2;
	p2 =	seq.s32 @!p0 s5, $0x0  }
0x1f: {  	s9 =	smul.u32 $0xF7A, s1;
	s8 =	simm.s32 @!p0 $0x1BF5;
	p2 =	por !p2, p0  }
0x20: {  	[sflag:s8] =	ssyncset.s32 @!p0 $0xFFFFF086;
	s6 =	sadd.s32 @!p0 s3, s7;
	s7 =	simm.s32 @!p0 $0x108  }
0x21: {  	s3 =	sadd.s32 s3, s9;
	s6 =	sadd.s32 @!p0 $0x88, s6;
	s7 =	simm.s32 @p2 $0x1082  }
0x22: {  	[simem:s7], [sflag:s8] =	dma.local @!p0 [hbm:s6], $0xF7A  }
0x23: {  	s9 =	sor.u32 $0xD0000000, s2;
	s6 =	simm.s32 $0x108;
	_ =	swait.ge @!p0 [sflag:s8], $0x0  }
0x24: {  	s3 =	sadd.s32 $0x88, s3;
	s6 =	simm.s32 @!p1 $0x1082;
	[sflag:s4] =	ssyncset.s32 $0xFFFFF086  }
0x25: {  	[simem:s6], [sflag:s4] =	dma.local [hbm:s3], $0xF7A  }
0x26: {  	[smem:$0x3F5F] =	sst s1;
	(tag) =	ssettag s2;
	_ =	strace s9  }
0x27: {  	s1 =	sld [smem:$0x3F6F]  }
0x28: {  	s2 =	sld [smem:$0x3F70]  }
0x29: {  	s4 =	sld [smem:$0x3F72]  }
0x2a: {  	p0 =	seq.s32 s5, $0x0;
	s5 =	sld [smem:$0x3F73]  }
0x2b: {  	s6 =	sld [smem:$0x3F74]  }
0x2c: {  	s7 =	sld [smem:$0x3F75]  }
0x2d: {  	s3 =	simm.s32 $0x108;
	s8 =	sld [smem:$0x3F76]  }
0x2e: {  	s3 =	simm.s32 @!p0 $0x1082;
	s9 =	sld [smem:$0x3F77]  }
0x2f: {  	lr =	sadd.s32 s0, s3;
	s0 =	sld [smem:$0x3F6E]  }
0x30: {  	s3 =	sld [smem:$0x3F71]  }
0x31: {  	[smem:$0x3F7A] =	sst s10  }
0x32: {  	s10 =	sld [smem:$0x3F78];
	_ =	sdelay $0x3  }
0x33: {  	p0 =	seq.s32 s10, $0x1;
	s10 =	sld [smem:$0x3F7A];
	_ =	sdelay $0x3  }
0x34: {  	[smem:$0x3F7A] =	sst s10  }
0x35: {  	s10 =	sld [smem:$0x3F79];
	_ =	sdelay $0x3  }
0x36: {  	p1 =	seq.s32 s10, $0x1;
	s10 =	sld [smem:$0x3F7A];
	_ =	sdelay $0x3  }
0x37: {  	[smem:$0x3F7A] =	sst s10  }
0x38: {  	s10 =	sld [smem:$0x3F7B]  }
0x39: {  	_ = 	snop;
	(pc) =	sbr.ind lr, $3  }
0x3a: {  	_ = 	snop  }
0x3b: {  	_ = 	snop  }
0x3c: {  	p2 =	seq.s32 s10, $0x1;
	s10 =	sld [smem:$0x3F7A]  }
0x3d: {  	_ =	shalt  }
0x3e: {  	_ =	shalt  }
0x3f: {  	_ =	shalt  }
0x40: {  	_ =	shalt  }
0x41: {  	_ =	shalt  }
0x42: {  	_ =	shalt  }
0x43: {  	_ =	shalt  }
0x44: {  	_ =	shalt  }
0x45: {  	_ =	shalt  }
0x46: {  	_ =	shalt  }
0x47: {  	_ =	shalt  }
0x48: {  	_ =	shalt  }
0x49: {  	_ =	shalt  }
0x4a: {  	_ =	shalt  }
0x4b: {  	_ =	shalt  }
0x4c: {  	_ =	shalt  }
0x4d: {  	_ =	shalt  }
0x4e: {  	_ =	shalt  }
0x4f: {  	_ =	shalt  }
0x50: {  	_ =	shalt  }
0x51: {  	_ =	shalt  }
0x52: {  	_ =	shalt  }
0x53: {  	_ =	shalt  }
0x54: {  	_ =	shalt  }
0x55: {  	_ =	shalt  }
0x56: {  	_ =	shalt  }
0x57: {  	_ =	shalt  }
0x58: {  	_ =	shalt  }
0x59: {  	_ =	shalt  }
0x5a: {  	_ =	shalt  }
0x5b: {  	_ =	shalt  }
0x5c: {  	_ =	shalt  }
0x5d: {  	_ =	shalt  }
0x5e: {  	_ =	shalt  }
0x5f: {  	_ =	shalt  }
0x60: {  	_ =	shalt  }
0x61: {  	_ =	shalt  }
0x62: {  	_ =	shalt  }
0x63: {  	_ =	shalt  }
0x64: {  	_ =	shalt  }
0x65: {  	_ =	shalt  }
0x66: {  	_ =	shalt  }
0x67: {  	_ =	shalt  }
0x68: {  	_ =	shalt  }
0x69: {  	_ =	shalt  }
0x6a: {  	_ =	shalt  }
0x6b: {  	_ =	shalt  }
0x6c: {  	_ =	shalt  }
0x6d: {  	_ =	shalt  }
0x6e: {  	_ =	shalt  }
0x6f: {  	_ =	shalt  }
0x70: {  	_ =	shalt  }
0x71: {  	_ =	shalt  }
0x72: {  	_ =	shalt  }
0x73: {  	_ =	shalt  }
0x74: {  	_ =	shalt  }
0x75: {  	_ =	shalt  }
0x76: {  	_ =	shalt  }
0x77: {  	_ =	shalt  }
0x78: {  	_ =	shalt  }
0x79: {  	_ =	shalt  }
0x7a: {  	_ =	shalt  }
0x7b: {  	_ =	shalt  }
0x7c: {  	_ =	shalt  }
0x7d: {  	_ =	shalt  }
0x7e: {  	_ =	shalt  }
0x7f: {  	_ =	shalt  }
0x80: {  	_ =	shalt  }
0x81: {  	_ =	shalt  }
0x82: {  	_ =	shalt  }
0x83: {  	_ =	shalt  }
0x84: {  	_ =	shalt  }
0x85: {  	_ =	shalt  }
0x86: {  	_ =	shalt  }
0x87: {  	_ =	shalt  }
.Lfunc_end0:
.L_simem_size_0:
called_computation_lowered:
.L_overlay_start_0:
0x88: {  	s2 =	sld [smem:$0x3FD9]  }
0x89: {  	s3 =	sld [smem:$0x3FFE];
	_ =	sdelay $0x1  }
0x8a: {  	s1 =	srdreg.scid  }
0x8b: {  	s0 =	sand.u32 $0x1, s1  }
0x8c: {  	s14 =	sshll.u32 s0, $0xA;
	s2 =	sadd.s32 s3, s2  }
0x8d: {  	s2 =	sadd.s32 s2, s14  }
0x8e: {  	[smem:$0x3F86] =	sst s2  }
0x8f: {  	_ = 	snop  }
0x90: {  	s2 =	sld [smem:$0x3FD0];
	_ =	sdelay $0x2  }
0x91: {  	s15 =	simm.s32 $0xA;
	s4 =	simm.s32 $0x10  }
0x92: {  	[smem:s4], [sflag:s15] =	dma.local [hbm:s2], $0x1  }
0x93: {  	_ =	swait.eq [sflag:s15], $0x1  }
0x94: {  	[sflag:s15] =	ssyncset.done $0x0  }
0x95: {  	[sflag:s15] =	ssyncadd.s32 $0xFFFFFFFF  }
0x96: {  	s2 =	sadd.s32 $0x1, s2;
	s5 =	sld [smem:$0x17]  }
0x97: {  	[smem:s4], [sflag:s15] =	dma.local [hbm:s2], $0x1  }
0x98: {  	_ =	swait.eq [sflag:s15], $0x1  }
0x99: {  	[sflag:s15] =	ssyncset.done $0x0  }
0x9a: {  	[sflag:s15] =	ssyncadd.s32 $0xFFFFFFFF  }
0x9b: {  	s16 =	sld [smem:$0x10];
	(tm) =	ssettm $0x1  }
0x9c: {  	s17 =	sld [smem:$0x3FFB];
	_ =	sdelay $0x3  }
0x9d: {  	_ =	strace s17  }
0x9e: {  	s3 =	sld [smem:$0x3FFC];
	_ =	sdelay $0x3  }
0x9f: {  	_ =	strace s3  }
0xa0: {  	s3 =	sld [smem:$0x3FFD];
	_ =	sdelay $0x3  }
0xa1: {  	_ =	strace s3  }
0xa2: {  	_ =	strace $0x8FFFFFFF  }
0xa3: {  	s18 =	sld [smem:$0x3FDB];
	_ =	sdelay $0x1  }
0xa4: {  	s19 =	simm.s32 $_scs_section_size  }
0xa5: {  	s6 =	simm.s32 $_size__tile_overlayer_lowered;
	s7 =	simm.s32 $_tile_overlayer_lowered  }
0xa6: {  	s22 =	simm.s32 $0x1BFF;
	s21 =	sshll.u32 s7, $0x1;
	s3 =	sadd.s32 s19, s18  }
0xa7: {  	s8 =	simm.s32 $0x0;
	s20 =	sshll.u32 s6, $0x1;
	s6 =	sadd.s32 s21, s3  }
0xa8: {  	[timem:s8], [sflag:s22] =	dma.local [hbm:s6], s20  }
0xa9: {  	_ =	swait.ge [sflag:s22], s20  }
0xaa: {  	s4 =	ssub.s32 $0x0, s20;
	[sflag:s22] =	ssyncset.done $0x0  }
0xab: {  	[sflag:s22] =	ssyncadd.s32 s4;
	_ =	sdelay $0x1  }
0xac: {  	s23 =	simm.s32 $0x1B8B  }
0xad: {  	_ =	swait.ge [sflag:s23], $0x1  }
0xae: {  	[sflag:s23] =	ssyncset.done $0x0  }
0xaf: {  	s25 =	simm.s32 $0x1B8E;
	s24 =	sld [smem:$0x3FFE];
	[sflag:s23] =	ssyncadd.s32 $0xFFFFFFFF  }
0xb0: {  	s26 =	simm.s32 $execute0_lowered;
	[smem:$0x3FD2] =	sst s25  }
0xb1: {  	s6 =	sshll.u32 s26, $0x1;
	_ =	strace $0x80000046;
	[dreg:$0x1] =	wrdreg $0xFFFFFFFF  }
0xb2: {  	s28 =	simm.s32 $_size_execute0_lowered;
	s3 =	sadd.s32 s3, s6;
	[dreg:$0x0] =	wrdreg $0x0  }
0xb3: {  	s6 =	sshll.u32 s28, $0x1;
	[dreg:$0x2] =	wrdreg s3  }
0xb4: {  	[dreg:$0x3] =	wrdreg s6  }
0xb5: {  	[dreg:$0x4] =	wrdreg $0xC0  }
0xb6: {  	_ =	task [dreg:s8], $0x5FFFF  }
0xb7: {  	[dreg:$0x1] =	wrdreg $0xFFFFFFFF  }
0xb8: {  	[dreg:$0x0] =	wrdreg $0x60  }
0xb9: {  	[dreg:$0x2] =	wrdreg s5  }
0xba: {  	[dreg:$0x3] =	wrdreg s16  }
0xbb: {  	[dreg:$0x4] =	wrdreg s24  }
0xbc: {  	[dreg:$0x5] =	wrdreg $0x9  }
0xbd: {  	_ =	task.clear_ibuf [dreg:s8], $0x6FFFF;
	_ =	strace $0x90000046  }
0xbe: {  	s29 =	simm.s32 $0x9;
	_ =	strace $0x80000048  }
0xbf: {  	_ =	swait.ge [sflag:s29], $0x1  }
0xc0: {  	[sflag:s29] =	ssyncadd.s32 $0xFFFFFFFF  }
0xc1: {  	_ =	strace $0x90000048  }
0xc2: {  	_ =	sfence  }
0xc3: {  	s30 =	sld [smem:$0x0];
	_ =	sdelay $0x2  }
0xc4: {  	s31 =	sshll.u32 s1, $0xD;
	s1 =	sshrl.u32 s1, $0x2  }
0xc5: {  	s3 =	sand.u32 $0x4000, s31;
	s1 =	sadd.s32 s1, s30  }
0xc6: {  	s0 =	sor.u32 s3, s0;
	s1 =	sshll.u32 s1, $0x11  }
0xc7: {  	s0 =	sor.u32 s1, s0  }
0xc8: {  	s0 =	sadd.s32 $0x8F2B, s0  }
0xc9: {  	[sflag:s0] =	ssyncadd.remote.s32 $0x1  }
0xca: {  	_ =	sfence.sel $0xFFFF  }
0xcb: {  	[dreg:$0x0] =	wrdreg $0xFFFFFFFF;
	(pc) =	sbr.abs _section_cstart, $3  }
0xcc: {  	[dreg:$0x1] =	wrdreg $0xFFFFFFFF  }
0xcd: {  	_ =	task.clear_ibuf [dreg:s8], $0x2FFFF;
	_ =	strace $0x9FFFFFFF  }
0xce: {  	(tm) =	ssettm $0x7FFFFFFF  }
0xcf: {  	_ =	shalt  }
tec
execute0_lowered:
.L_overlay_start_1:
0x0: {  	(tag) =	ssettag $0x1  }
0x1: {  	s1 =	stileid.u32  }
0x2: {  	p0 =	sgt.u32 s1, $0x3  }
.Ltmp0:
0x3: {  	s7 =	rddreg [dreg:$0x0];
	(pc) =	sbr.rel @p0 .LBB2_7-.Ltmp0, $4  }
0x4: {  	s3 =	rddreg [dreg:$0x1]  }
0x5: {  	s4 =	rddreg [dreg:$0x2];
	s2 =	simm.s32 $0x0  }
0x6: {  	[smem:$0x7FF] =	sst s2  }
0x7: {  	s0 =	rddreg [dreg:$0x3];
	_ =	strace $0x80000047  }
0x8: {  	s5 =	srdreg.scid  }
0x9: {  	s6 =	sshll.u32 s1, $0x1;
	s5 =	sand.u32 $0x1, s5  }
0xa: {  	s13 =	simm.s32 $0x7000;
	s14 =	simm.s32 $0x0;
	s6 =	sor.u32 s5, s6  }
0xb: {  	v0 =	vimm.s32 $0xFEDCBA9;
	v1 =	vimm.s32 $0x87654321;
	s11 =	ssub.s32 $0x2, s5;
	s8 =	sshll.u32 s6, $0x9;
	s9 =	sshll.u32 s6, $0xB  }
0xc: {  	v0 =	vunpack.c.l.s4.s8 v0;
	v1 =	vunpack.c.l.s4.s8 v1;
	s31 =	sshrl.u32 s11, $0x1;
	s12 =	sshll.u32 s6, $0x7;
	s10 =	sadd.s32 s8, s4  }
0xd: {  	s9 =	sadd.s32 s9, s4;
	s3 =	sadd.s32 s3, s8;
	s7 =	sadd.s32 s7, s8  }
0xe: {  	v4 =	vunpack.c.0.s8.s32 v0;
	v5 =	vunpack.c.0.s8.s32 v1;
	v0 =	vmov s12;
	s12 =	simm.s32 $0x3000;
	s4 =	sadd.s32 $0x4600, s10;
	s5 =	sadd.s32 $0x5600, s9  }
0xf: {  	v2 =	vimm.f32 $1.000000000e+00;
	v3 =	vlaneseq.u32;
	s10 =	ssub.s32 s11, s31;
	s6 =	sadd.s32 $0x9600, s9;
	s9 =	simm.s32 $0x1  }
0x10: {  	vm0 =	vcmask $0x3F3C;
	v1 =	vimm.f32 $0.0e+00;
	s11 =	simm.s32 $0x2000;
	v4 =	vcombine.low v5, v4;
	s8 =	smax.u32 s10, $0x1;
	s10 =	simm.s32 $0x1000  }
.LBB2_2:
0x11: {  	s15 =	simm.s32 $0x0  }
0x12: {  	[tilespmem:s15], [sflag:$0x1] =	stream.linear.gather [hbm4b:s7+s15], $0x1000, $0x38;
	[tilespmem:$0xB000] =	vst v63  }
0x13: {  	_ =	swait.ge [sflag:s9], $0x1000  }
0x14: {  	[sflag:s9] =	ssyncset.done $0x0  }
0x15: {  	[sflag:s9] =	ssyncadd.s32 $0xFFFFF000  }
0x16: {  	[tilespmem:s10], [sflag:$0x1] =	stream.linear.gather [hbm4b:s3+s15], $0x1000, $0x38;
	[tilespmem:$0xB000] =	vst v63  }
0x17: {  	_ =	swait.ge [sflag:s9], $0x1000  }
0x18: {  	[sflag:s9] =	ssyncset.done $0x0  }
0x19: {  	[sflag:s9] =	ssyncadd.s32 $0xFFFFF000  }
0x1a: {  	[tilespmem:s11], [sflag:$0x1] =	stream.linear.gather [hbm4b:s4+s15], $0x1000, $0x38;
	[tilespmem:$0xB000] =	vst v63  }
0x1b: {  	_ =	swait.ge [sflag:s9], $0x1000  }
0x1c: {  	[sflag:s9] =	ssyncset.done $0x0  }
0x1d: {  	s16 =	simm.s32 $0x0;
	s15 =	simm.s32 $0x40;
	[sflag:s9] =	ssyncadd.s32 $0xFFFFF000  }
.LBB2_3:
0x1e: {  	p0 =	sne.s32 s15, $0xFFC0;
	[tilespmem:s16+$0x3000] =	vst v1;
	s17 =	smov.u32 s15;
	s15 =	sadd.s32 $0x40, s15  }
.Ltmp1:
0x1f: {  	[tilespmem:s16+$0x7000] =	vst v1;
	(pc) =	sbr.rel @p0 .LBB2_3-.Ltmp1, $2  }
0x20: {  	_ =	sdelay $0x2  }
0x21: {  	s16 =	sshra.s32 s17, $0x2  }
0x22: {  	[tilespmem:s16+$0x3000] =	vst v1  }
0x23: {  	[tilespmem:s16+$0x7000] =	vst v1;
	s16 =	simm.s32 $0x0;
	s15 =	simm.s32 $0x40  }
.LBB2_5:
0x24: {  	p0 =	sne.s32 s15, $0x3FC0;
	v5 =	vld [tilespmem:s16+$0x0]  }
0x25: {  	v6 =	vld [tilespmem:s16+$0x1000];
	_ =	sdelay $0x3  }
0x26: {  	v5 =	vsub.s32 v5, v0  }
0x27: {  	v7 =	vsub.s32 v6, v0;
	v5 =	vshll.u32 v5, $0x7  }
0x28: {  	v5 =	vadd.s32 v7, v5  }
0x29: {  	v7 =	vshll.u32 v5, $0x4  }
0x2a: {  	v7 =	vor.u32 v3, v7  }
0x2b: {  	(xrf1) =	vsort.ascd.msk.u32 $0xffff, v7, v7;
	_ =	sdelay $0xd  }
0x2c: {  	v7, _, _ =	vpop (xrf1)  }
0x2d: {  	v8 =	vshra.s32 v7, $0x4  }
0x2e: {  	v9 =	vperm.xlane v8, v4;
	_ =	sdelay $0x1  }
0x2f: {  	v6 =	vand.u32 $0x7F, v6;
	v5 =	vand.u32 $0xFFFFFF80, v5;
	v10 =	vld [tilespmem:s16+$0x2000];
	vm1 =	vne.s32 v8, v9  }
0x30: {  	v5 =	vor.u32 v6, v5;
	vm1 =	vmor vm1, vm0;
	_ =	sdelay $0x1  }
.Ltmp2:
0x31: {  	(pc) =	sbr.rel @p0 .LBB2_5-.Ltmp2, $4  }
0x32: {  	_ = 	snop  }
0x33: {  	v6 =	vperm.xlane v10, v7  }
0x34: {  	[tilespmem:v5+s12+$0x0] =	vst.idx.msk $0xffff, v2  }
0x35: {  	s16 =	sshra.s32 s15, $0x2;
	s15 =	sadd.s32 $0x40, s15;
	[tilespmem:v8+s13+$0x0] =	vst.idx.msk vm1, v6  }
0x36: {  	v5 =	vld [tilespmem:s16+$0x0]  }
0x37: {  	v6 =	vld [tilespmem:s16+$0x1000];
	_ =	sdelay $0x3  }
0x38: {  	v5 =	vsub.s32 v5, v0  }
0x39: {  	v7 =	vsub.s32 v6, v0;
	v5 =	vshll.u32 v5, $0x7  }
0x3a: {  	v5 =	vadd.s32 v7, v5  }
0x3b: {  	v7 =	vshll.u32 v5, $0x4  }
0x3c: {  	v7 =	vor.u32 v3, v7  }
0x3d: {  	(xrf1) =	vsort.ascd.msk.u32 $0xffff, v7, v7;
	_ =	sdelay $0xd  }
0x3e: {  	v7, _, _ =	vpop (xrf1)  }
0x3f: {  	v8 =	vshra.s32 v7, $0x4  }
0x40: {  	v9 =	vperm.xlane v8, v4;
	_ =	sdelay $0x1  }
0x41: {  	v10 =	vld [tilespmem:s16+$0x2000];
	v6 =	vand.u32 $0x7F, v6;
	v5 =	vand.u32 $0xFFFFFF80, v5;
	vm1 =	vne.s32 v8, v9  }
0x42: {  	v5 =	vor.u32 v6, v5;
	vm1 =	vmor vm1, vm0;
	_ =	sdelay $0x3  }
0x43: {  	v6 =	vperm.xlane v10, v7  }
0x44: {  	[tilespmem:v5+s12+$0x0] =	vst.idx.msk $0xffff, v2  }
0x45: {  	[tilespmem:v8+s13+$0x0] =	vst.idx.msk vm1, v6  }
0x46: {  	[hbm4b:s5+s2] =	stream.linear.scatter [tilespmem:s12], [sflag:$0x1], $0x4000, $0x38;
	[tilespmem:$0xB000] =	vst v63  }
0x47: {  	s14 =	sadd.s32 $0x1, s14;
	_ =	swait.ge [sflag:s9], $0x4000  }
0x48: {  	p0 =	sne.s32 s14, s8;
	[sflag:s9] =	ssyncset.done $0x0  }
.Ltmp3:
0x49: {  	[sflag:s9] =	ssyncadd.s32 $0xFFFFC000;
	(pc) =	sbr.rel @p0 .LBB2_2-.Ltmp3, $4  }
0x4a: {  	[hbm4b:s6+s2] =	stream.linear.scatter [tilespmem:s13], [sflag:$0x1], $0x4000, $0x38;
	[tilespmem:$0xB000] =	vst v63  }
0x4b: {  	_ =	swait.ge [sflag:s9], $0x4000  }
0x4c: {  	[sflag:s9] =	ssyncset.done $0x0  }
0x4d: {  	[sflag:s9] =	ssyncadd.s32 $0xFFFFC000  }
.LBB2_7:
0x4e: {  	_ =	sfence.sel $0x180000  }
0x4f: {  	[bflag:$0x0] =	sbarrier.arrive $0xFFFF  }
0x50: {  	p0 =	sne.s32 s1, $0x0;
	_ =	strace $0x90000047  }
0x51: {  	s0 =	sadd.s32 @!p0 $0x100000, s0;
	[bflag:$0x2] =	sbarrier.arrive $0xFFFF  }
0x52: {  	[sflag:s0] =	ssyncadd.tile.s32 @!p0 $0x1;
	_ =	shalt  }
.Lfunc_end2:
_tile_overlayer_lowered:
.L_overlay_start_2:
0x53: {  	(tag) =	ssettag $0x2  }
0x54: {  	s0 =	rddreg [dreg:$0x0];
	s2 =	stileid.u32  }
0x55: {  	s1 =	rddreg [dreg:$0x1];
	p0 =	sne.s32 s2, $0x0  }
0x56: {  	s3 =	rddreg [dreg:$0x2];
	[bflag:$0x3] =	sbarrier.arrive $0xFFFF;
	s2 =	simm.s32 @!p0 $0x1C01  }
0x57: {  	[timem:s3], [sflag:s2] =	dma.local @!p0 [hbm:s0], s1  }
0x58: {  	s0 =	simm.s32 @!p0 $0x1  }
0x59: {  	_ =	swait.ge @!p0 [sflag:s0], s1  }
0x5a: {  	s1 =	ssub.s32 @!p0 $0x0, s1;
	[sflag:s0] =	ssyncset.done @!p0 $0x0  }
0x5b: {  	[sflag:s0] =	ssyncadd.s32 @!p0 s1  }
0x5c: {  	[bflag:$0x3] =	sbarrier.arrive $0xFFFF  }
0x5d: {  	_ =	shalt  }

</sc_bundles>
